<compile_context>
chip_gen: v7x
topology: tpu7x:2x2x1
jax: 0.10.2.dev20260603
libtpu: 0.0.44.dev20260713+nightly
codegen_flags: <defaults>
</compile_context>

<pallas_src>
import functools

import jax
import jax.numpy as jnp
from jax import lax
from jax.experimental import pallas as pl
from jax.experimental.pallas import tpu as pltpu
from jax.experimental.pallas import tpu_sc as plsc

N = 10000
D_IN = 128
D_HID = 16
NCLS = 40
D2P = 48
D_CNT = 16

NC = 2
NS = 16
NW = NC * NS
CH = 128

E_RAW = 320000
E_PAD = ((E_RAW + NW * CH - 1) // (NW * CH)) * (NW * CH)
E_PER_TILE = E_PAD // NW
CHUNKS = E_PER_TILE // CH

N_PAD = 10112
ROWS_PER_TILE = N_PAD // NS


def _make_agg(d, gather):
  mesh = plsc.VectorSubcoreMesh(core_axis_name="c", subcore_axis_name="s")

  @functools.partial(
      pl.kernel,
      out_type=jax.ShapeDtypeStruct((NC, N_PAD, d), jnp.float32),
      mesh=mesh,
      scratch_types=[
          pltpu.VMEM((CH,), jnp.int32),
          pltpu.VMEM((CH,), jnp.int32),
          pltpu.VMEM((CH, d), jnp.float32),
          pltpu.VMEM_SHARED((N_PAD, d), jnp.float32),
          pltpu.SemaphoreType.DMA,
      ],
      compiler_params=pltpu.CompilerParams(use_tc_tiling_on_sc=False),
  )
  def k(table_hbm, src_hbm, dst_hbm, zeros_hbm, out_hbm,
        src_v, dst_v, rows_v, acc_sh, sem):
    c = lax.axis_index("c")
    s = lax.axis_index("s")
    wid = s * NC + c
    zbase = s * ROWS_PER_TILE
    pltpu.sync_copy(zeros_hbm.at[pl.ds(zbase, ROWS_PER_TILE)],
                    acc_sh.at[pl.ds(zbase, ROWS_PER_TILE)])
    plsc.subcore_barrier()
    if not gather:
      pltpu.sync_copy(table_hbm, rows_v)
    ebase = wid * E_PER_TILE

    def body(i, carry):
      off = ebase + i * CH
      pltpu.sync_copy(dst_hbm.at[pl.ds(off, CH)], dst_v)
      if gather:
        pltpu.sync_copy(src_hbm.at[pl.ds(off, CH)], src_v)
        pltpu.async_copy(table_hbm.at[src_v], rows_v, sem).wait()
      pltpu.sync_copy(rows_v, acc_sh.at[dst_v], add=True)
      return carry

    lax.fori_loop(0, CHUNKS, body, 0)
    plsc.subcore_barrier()
    pltpu.sync_copy(acc_sh.at[pl.ds(zbase, ROWS_PER_TILE)],
                    out_hbm.at[c, pl.ds(zbase, ROWS_PER_TILE)])

  return k


_agg_cnt = _make_agg(D_CNT, gather=False)
_agg_l1 = _make_agg(D_HID, gather=True)
_agg_l2 = _make_agg(D2P, gather=True)


def _mm1_body(x_ref, w_ref, o_ref):
  o_ref[...] = jnp.dot(x_ref[...], w_ref[...],
                       preferred_element_type=jnp.float32)


def _scale1_body(cnt_ref, xw_ref, xws_ref, dis_ref):
  deg = cnt_ref[0, 0:N, 0:1] + cnt_ref[1, 0:N, 0:1] + 1.0
  dis = lax.rsqrt(deg)
  dis_ref[...] = dis
  xws_ref[...] = xw_ref[...] * dis


def _mid_body(agg_ref, xws_ref, dis_ref, b1_ref, w2_ref, o_ref):
  aggs = agg_ref[0, 0:N, :] + agg_ref[1, 0:N, :]
  h = jnp.maximum(dis_ref[...] * (aggs + xws_ref[...]) + b1_ref[...], 0.0)
  o_ref[...] = jnp.dot(h, w2_ref[...],
                       preferred_element_type=jnp.float32) * dis_ref[...]


def _fin_body(agg_ref, hws_ref, dis_ref, b2_ref, o_ref):
  aggs = agg_ref[0, 0:N, :] + agg_ref[1, 0:N, :]
  z = dis_ref[...] * (aggs + hws_ref[...]) + b2_ref[...]
  m = jnp.max(z, axis=1, keepdims=True)
  lse = jnp.log(jnp.sum(jnp.exp(z - m), axis=1, keepdims=True)) + m
  o_ref[...] = z - lse


def kernel(x, edge_index, W1, b1, W2, b2):
  src = edge_index[0].astype(jnp.int32)
  dst = edge_index[1].astype(jnp.int32)
  pad = E_PAD - src.shape[0]
  src_p = jnp.concatenate([src, jnp.zeros((pad,), jnp.int32)])
  dst_p = jnp.concatenate([dst, jnp.full((pad,), N, jnp.int32)])

  ones_tab = jnp.ones((CH, D_CNT), jnp.float32)
  zeros_cnt = jnp.zeros((N_PAD, D_CNT), jnp.float32)
  cnt = _agg_cnt(ones_tab, src_p, dst_p, zeros_cnt)

  xw1 = pl.pallas_call(
      _mm1_body,
      out_shape=jax.ShapeDtypeStruct((N, D_HID), jnp.float32),
  )(x, W1)

  xws1, dis = pl.pallas_call(
      _scale1_body,
      out_shape=(
          jax.ShapeDtypeStruct((N, D_HID), jnp.float32),
          jax.ShapeDtypeStruct((N, 1), jnp.float32),
      ),
  )(cnt, xw1)

  zeros_l1 = jnp.zeros((N_PAD, D_HID), jnp.float32)
  agg1 = _agg_l1(xws1, src_p, dst_p, zeros_l1)

  w2p = jnp.pad(W2, ((0, 0), (0, D2P - NCLS)))
  b1r = b1.reshape(1, D_HID)
  hws = pl.pallas_call(
      _mid_body,
      out_shape=jax.ShapeDtypeStruct((N, D2P), jnp.float32),
  )(agg1, xws1, dis, b1r, w2p)

  zeros_l2 = jnp.zeros((N_PAD, D2P), jnp.float32)
  agg2 = _agg_l2(hws, src_p, dst_p, zeros_l2)

  b2p = jnp.pad(b2.reshape(1, NCLS), ((0, 0), (0, D2P - NCLS)),
                constant_values=-1e30)
  out48 = pl.pallas_call(
      _fin_body,
      out_shape=jax.ShapeDtypeStruct((N, D2P), jnp.float32),
  )(agg2, hws, dis, b2p)
  return out48[:, :NCLS]

# --- scband reference (transcript-rebuilt; emitter-appended) ---
"""Pipeline reference for scband-gcnnet-81312320848104 (READ-ONLY COPY).

The authoritative reference and input builder live on the scoring server;
editing this copy changes nothing except your own understanding.
"""

import jax, jax.numpy as jnp
import numpy as np

N_NODES = 10000
N_EDGES = 320000
D_IN = 128
D_HID = 16
N_CLASSES = 40


def setup_inputs(seed: int = 0) -> dict:
    key = jax.random.key(seed)
    k_x, k_e, k_w1, k_b1, k_w2, k_b2 = jax.random.split(key, 6)
    x = jax.random.normal(k_x, (N_NODES, D_IN), dtype=jnp.float32)
    edge_index = jax.random.randint(k_e, (2, N_EDGES), 0, N_NODES, dtype=jnp.int64)
    # GCNConv params (glorot-like init)
    W1 = jax.random.normal(k_w1, (D_IN, D_HID), dtype=jnp.float32) * (1.0 / np.sqrt(D_IN))
    b1 = jnp.zeros((D_HID,), dtype=jnp.float32)
    W2 = jax.random.normal(k_w2, (D_HID, N_CLASSES), dtype=jnp.float32) * (1.0 / np.sqrt(D_HID))
    b2 = jnp.zeros((N_CLASSES,), dtype=jnp.float32)
    return {"x": x, "edge_index": edge_index, "W1": W1, "b1": b1, "W2": W2, "b2": b2}


def _gcn_conv(x, src, dst, W, b, num_nodes):
    # PyG GCNConv: add self-loops, symmetric normalization D^-1/2 (A+I) D^-1/2 X W + b
    loop = jnp.arange(num_nodes, dtype=src.dtype)
    src_sl = jnp.concatenate([src, loop])
    dst_sl = jnp.concatenate([dst, loop])
    deg = jnp.zeros((num_nodes,), dtype=x.dtype).at[dst_sl].add(1.0)
    deg_inv_sqrt = jnp.where(deg > 0, deg ** -0.5, 0.0)
    norm = deg_inv_sqrt[src_sl] * deg_inv_sqrt[dst_sl]
    xw = x @ W
    msgs = xw[src_sl] * norm[:, None]
    out = jnp.zeros((num_nodes, xw.shape[1]), dtype=x.dtype).at[dst_sl].add(msgs)
    return out + b


def reference(x, edge_index, W1, b1, W2, b2):
    src = edge_index[0]
    dst = edge_index[1]
    h = _gcn_conv(x, src, dst, W1, b1, N_NODES)
    h = jax.nn.relu(h)
    # dropout is identity in eval mode
    h = _gcn_conv(h, src, dst, W2, b2, N_NODES)
    return jax.nn.log_softmax(h, axis=1)

if __name__ == "__main__":
    import jax
    _d = setup_inputs()
    print(jax.jit(kernel)(*tuple(_d.values())))

</pallas_src>

<mosaic_0001>
#map = affine_map<(d0, d1) -> (0, 0)>
#map1 = affine_map<(d0, d1) -> (0)>
#map2 = affine_map<(d0, d1) -> (0, 0, 0)>
module attributes {stable_mosaic.version = 14 : i64} {
  func.func @k(%arg0: i32, %arg1: i32, %arg2: memref<128x16xf32, #tpu.memory_space<hbm>>, %arg3: memref<323584xi32, #tpu.memory_space<hbm>>, %arg4: memref<323584xi32, #tpu.memory_space<hbm>>, %arg5: memref<10112x16xf32, #tpu.memory_space<hbm>>, %arg6: memref<2x10112x16xf32, #tpu.memory_space<hbm>>, %arg7: memref<128xi32, #tpu.memory_space<vmem>>, %arg8: memref<128xi32, #tpu.memory_space<vmem>>, %arg9: memref<128x16xf32, #tpu.memory_space<vmem>>, %arg10: memref<10112x16xf32, #tpu.memory_space<vmem_shared>>, %arg11: memref<!tpu.dma_semaphore, #tpu.memory_space<semaphore_mem>>) attributes {dimension_semantics = [#tpu.dimension_semantics<core_parallel>, #tpu.dimension_semantics<subcore_parallel>], iteration_bounds = array<i64: 2, 16>, scalar_prefetch = 0 : i64, scratch_operands = 5 : i64, tpu.core_type = #tpu.core_type<sc_vector_subcore>, window_params = [{transform_indices = #map}, {transform_indices = #map1}, {transform_indices = #map1}, {transform_indices = #map}, {transform_indices = #map2}]} {
    %mul3A = arith.constant 2 : i32
    %mul3A_0 = arith.muli %arg1, %mul3A : i32
    %add3A = arith.addi %mul3A_0, %arg0 : i32
    %mul3A_1 = arith.constant 632 : i32
    %mul3A_2 = arith.muli %arg1, %mul3A_1 : i32
    "tpu.region"() ({
      %run_scoped3A = tpu.sem_alloc : memref<!tpu.dma_semaphore, #tpu.memory_space<semaphore_mem>>
      %dma_start3A = arith.constant 0 : i32
      %dma_start3A_11 = tpu.memref_slice %arg10[%mul3A_2, %dma_start3A] : memref<10112x16xf32, #tpu.memory_space<vmem_shared>> -> memref<632x16xf32, #tpu.memory_space<vmem_shared>>
      %dma_start3A_12 = arith.constant 0 : i32
      %dma_start3A_13 = tpu.memref_slice %arg5[%mul3A_2, %dma_start3A_12] : memref<10112x16xf32, #tpu.memory_space<hbm>> -> memref<632x16xf32, #tpu.memory_space<hbm>>
      tpu.enqueue_dma source(%dma_start3A_13 : memref<632x16xf32, #tpu.memory_space<hbm>>) target(%dma_start3A_11 : memref<632x16xf32, #tpu.memory_space<vmem_shared>>) target_semaphore(%run_scoped3A : memref<!tpu.dma_semaphore, #tpu.memory_space<semaphore_mem>>)
      %dma_wait3A = arith.constant 0 : i32
      %dma_wait3A_14 = tpu.memref_slice %arg10[%mul3A_2, %dma_wait3A] : memref<10112x16xf32, #tpu.memory_space<vmem_shared>> -> memref<632x16xf32, #tpu.memory_space<vmem_shared>>
      %dma_wait3A_15 = arith.constant 0 : i32
      %dma_wait3A_16 = tpu.memref_slice %arg5[%mul3A_2, %dma_wait3A_15] : memref<10112x16xf32, #tpu.memory_space<hbm>> -> memref<632x16xf32, #tpu.memory_space<hbm>>
      tpu.wait_dma2 semaphore(%run_scoped3A : memref<!tpu.dma_semaphore, #tpu.memory_space<semaphore_mem>>) src(%dma_wait3A_16 : memref<632x16xf32, #tpu.memory_space<hbm>>) dst(%dma_wait3A_14 : memref<632x16xf32, #tpu.memory_space<vmem_shared>>)
      tpu.yield
    }) : () -> ()
    %barrier3A = arith.constant 0 : index
    tpu.barrier barrier_id(%barrier3A)
    "tpu.region"() ({
      %run_scoped3A = tpu.sem_alloc : memref<!tpu.dma_semaphore, #tpu.memory_space<semaphore_mem>>
      tpu.enqueue_dma source(%arg2 : memref<128x16xf32, #tpu.memory_space<hbm>>) target(%arg9 : memref<128x16xf32, #tpu.memory_space<vmem>>) target_semaphore(%run_scoped3A : memref<!tpu.dma_semaphore, #tpu.memory_space<semaphore_mem>>)
      tpu.wait_dma2 semaphore(%run_scoped3A : memref<!tpu.dma_semaphore, #tpu.memory_space<semaphore_mem>>) src(%arg2 : memref<128x16xf32, #tpu.memory_space<hbm>>) dst(%arg9 : memref<128x16xf32, #tpu.memory_space<vmem>>)
      tpu.yield
    }) : () -> ()
    %mul3A_3 = arith.constant 10112 : i32
    %mul3A_4 = arith.muli %add3A, %mul3A_3 : i32
    %scan3A = arith.constant 0 : i32
    %scan3A_5 = arith.constant 0 : i32
    %scan3A_6 = arith.constant 79 : i32
    %scan3A_7 = arith.addi %scan3A_5, %scan3A_6 : i32
    %scan3A_8 = arith.constant 1 : i32
    scf.for %scan3A_11 = %scan3A_5 to %scan3A_7 step %scan3A_8  : i32 {
      %mul3A_12 = arith.constant 128 : i32
      %mul3A_13 = arith.muli %scan3A_11, %mul3A_12 : i32
      %add3A_14 = arith.addi %mul3A_4, %mul3A_13 : i32
      "tpu.region"() ({
        %run_scoped3A = tpu.sem_alloc : memref<!tpu.dma_semaphore, #tpu.memory_space<semaphore_mem>>
        %dma_start3A = tpu.memref_slice %arg4[%add3A_14] : memref<323584xi32, #tpu.memory_space<hbm>> -> memref<128xi32, #tpu.memory_space<hbm>>
        %dma_start3A_15 = tpu.memref_slice %arg4[%add3A_14] : memref<323584xi32, #tpu.memory_space<hbm>> -> memref<128xi32, #tpu.memory_space<hbm>>
        tpu.enqueue_dma source(%dma_start3A_15 : memref<128xi32, #tpu.memory_space<hbm>>) target(%arg8 : memref<128xi32, #tpu.memory_space<vmem>>) target_semaphore(%run_scoped3A : memref<!tpu.dma_semaphore, #tpu.memory_space<semaphore_mem>>)
        %dma_wait3A = tpu.memref_slice %arg4[%add3A_14] : memref<323584xi32, #tpu.memory_space<hbm>> -> memref<128xi32, #tpu.memory_space<hbm>>
        %dma_wait3A_16 = tpu.memref_slice %arg4[%add3A_14] : memref<323584xi32, #tpu.memory_space<hbm>> -> memref<128xi32, #tpu.memory_space<hbm>>
        tpu.wait_dma2 semaphore(%run_scoped3A : memref<!tpu.dma_semaphore, #tpu.memory_space<semaphore_mem>>) src(%dma_wait3A_16 : memref<128xi32, #tpu.memory_space<hbm>>) dst(%arg8 : memref<128xi32, #tpu.memory_space<vmem>>)
        tpu.yield
      }) : () -> ()
      "tpu.region"() ({
        %run_scoped3A = tpu.sem_alloc : memref<!tpu.dma_semaphore, #tpu.memory_space<semaphore_mem>>
        %dma_start3A = arith.constant 0 : i32
        %dma_start3A_15 = arith.constant 0 : i32
        %dma_start3A_16 = tpu.memref_slice %arg10[%dma_start3A, %dma_start3A_15] : memref<10112x16xf32, #tpu.memory_space<vmem_shared>> -> memref<10112x16xf32, #tpu.memory_space<vmem_shared>>
        tpu.enqueue_indirect_dma source(%arg9 : memref<128x16xf32, #tpu.memory_space<vmem>>) target(%dma_start3A_16 : memref<10112x16xf32, #tpu.memory_space<vmem_shared>>) offsets(%arg8 : memref<128xi32, #tpu.memory_space<vmem>>) semaphore(%run_scoped3A : memref<!tpu.dma_semaphore, #tpu.memory_space<semaphore_mem>>) {add = true}
        %dma_wait3A = arith.constant 0 : i32
        %dma_wait3A_17 = arith.constant 0 : i32
        %dma_wait3A_18 = tpu.memref_slice %arg10[%dma_wait3A, %dma_wait3A_17] : memref<10112x16xf32, #tpu.memory_space<vmem_shared>> -> memref<10112x16xf32, #tpu.memory_space<vmem_shared>>
        tpu.wait_indirect_dma semaphore(%run_scoped3A : memref<!tpu.dma_semaphore, #tpu.memory_space<semaphore_mem>>) src(%arg9 : memref<128x16xf32, #tpu.memory_space<vmem>>) dst(%dma_wait3A_18 : memref<10112x16xf32, #tpu.memory_space<vmem_shared>>)
        tpu.yield
      }) : () -> ()
    }
    %scan3A_9 = arith.constant 79 : i32
    %barrier3A_10 = arith.constant 0 : index
    tpu.barrier barrier_id(%barrier3A_10)
    "tpu.region"() ({
      %run_scoped3A = tpu.sem_alloc : memref<!tpu.dma_semaphore, #tpu.memory_space<semaphore_mem>>
      %dma_start3A = arith.constant 0 : i32
      %dma_start3A_11 = tpu.memref_slice %arg6[%arg0, %mul3A_2, %dma_start3A] : memref<2x10112x16xf32, #tpu.memory_space<hbm>> -> memref<1x632x16xf32, #tpu.memory_space<hbm>>
      %dma_start3A_12 = tpu.memref_squeeze %dma_start3A_11 : memref<1x632x16xf32, #tpu.memory_space<hbm>> -> memref<632x16xf32, #tpu.memory_space<hbm>>
      %dma_start3A_13 = arith.constant 0 : i32
      %dma_start3A_14 = tpu.memref_slice %arg10[%mul3A_2, %dma_start3A_13] : memref<10112x16xf32, #tpu.memory_space<vmem_shared>> -> memref<632x16xf32, #tpu.memory_space<vmem_shared>>
      tpu.enqueue_dma source(%dma_start3A_14 : memref<632x16xf32, #tpu.memory_space<vmem_shared>>) target(%dma_start3A_12 : memref<632x16xf32, #tpu.memory_space<hbm>>) target_semaphore(%run_scoped3A : memref<!tpu.dma_semaphore, #tpu.memory_space<semaphore_mem>>)
      %dma_wait3A = arith.constant 0 : i32
      %dma_wait3A_15 = tpu.memref_slice %arg6[%arg0, %mul3A_2, %dma_wait3A] : memref<2x10112x16xf32, #tpu.memory_space<hbm>> -> memref<1x632x16xf32, #tpu.memory_space<hbm>>
      %dma_wait3A_16 = tpu.memref_squeeze %dma_wait3A_15 : memref<1x632x16xf32, #tpu.memory_space<hbm>> -> memref<632x16xf32, #tpu.memory_space<hbm>>
      %dma_wait3A_17 = arith.constant 0 : i32
      %dma_wait3A_18 = tpu.memref_slice %arg10[%mul3A_2, %dma_wait3A_17] : memref<10112x16xf32, #tpu.memory_space<vmem_shared>> -> memref<632x16xf32, #tpu.memory_space<vmem_shared>>
      tpu.wait_dma2 semaphore(%run_scoped3A : memref<!tpu.dma_semaphore, #tpu.memory_space<semaphore_mem>>) src(%dma_wait3A_18 : memref<632x16xf32, #tpu.memory_space<vmem_shared>>) dst(%dma_wait3A_16 : memref<632x16xf32, #tpu.memory_space<hbm>>)
      tpu.yield
    }) : () -> ()
    return
  }
}

#map = affine_map<(d0, d1) -> (0, 0)>
#map1 = affine_map<(d0, d1) -> (0)>
#map2 = affine_map<(d0, d1) -> (0, 0, 0)>
module attributes {stable_mosaic.version = 14 : i64} {
  func.func @k(%arg0: i32, %arg1: i32, %arg2: memref<10000x16xf32, #tpu.memory_space<hbm>>, %arg3: memref<323584xi32, #tpu.memory_space<hbm>>, %arg4: memref<323584xi32, #tpu.memory_space<hbm>>, %arg5: memref<10112x16xf32, #tpu.memory_space<hbm>>, %arg6: memref<2x10112x16xf32, #tpu.memory_space<hbm>>, %arg7: memref<128xi32, #tpu.memory_space<vmem>>, %arg8: memref<128xi32, #tpu.memory_space<vmem>>, %arg9: memref<128x16xf32, #tpu.memory_space<vmem>>, %arg10: memref<10112x16xf32, #tpu.memory_space<vmem_shared>>, %arg11: memref<!tpu.dma_semaphore, #tpu.memory_space<semaphore_mem>>) attributes {dimension_semantics = [#tpu.dimension_semantics<core_parallel>, #tpu.dimension_semantics<subcore_parallel>], iteration_bounds = array<i64: 2, 16>, scalar_prefetch = 0 : i64, scratch_operands = 5 : i64, tpu.core_type = #tpu.core_type<sc_vector_subcore>, window_params = [{transform_indices = #map}, {transform_indices = #map1}, {transform_indices = #map1}, {transform_indices = #map}, {transform_indices = #map2}]} {
    %mul3A = arith.constant 2 : i32
    %mul3A_0 = arith.muli %arg1, %mul3A : i32
    %add3A = arith.addi %mul3A_0, %arg0 : i32
    %mul3A_1 = arith.constant 632 : i32
    %mul3A_2 = arith.muli %arg1, %mul3A_1 : i32
    "tpu.region"() ({
      %run_scoped3A = tpu.sem_alloc : memref<!tpu.dma_semaphore, #tpu.memory_space<semaphore_mem>>
      %dma_start3A = arith.constant 0 : i32
      %dma_start3A_11 = tpu.memref_slice %arg10[%mul3A_2, %dma_start3A] : memref<10112x16xf32, #tpu.memory_space<vmem_shared>> -> memref<632x16xf32, #tpu.memory_space<vmem_shared>>
      %dma_start3A_12 = arith.constant 0 : i32
      %dma_start3A_13 = tpu.memref_slice %arg5[%mul3A_2, %dma_start3A_12] : memref<10112x16xf32, #tpu.memory_space<hbm>> -> memref<632x16xf32, #tpu.memory_space<hbm>>
      tpu.enqueue_dma source(%dma_start3A_13 : memref<632x16xf32, #tpu.memory_space<hbm>>) target(%dma_start3A_11 : memref<632x16xf32, #tpu.memory_space<vmem_shared>>) target_semaphore(%run_scoped3A : memref<!tpu.dma_semaphore, #tpu.memory_space<semaphore_mem>>)
      %dma_wait3A = arith.constant 0 : i32
      %dma_wait3A_14 = tpu.memref_slice %arg10[%mul3A_2, %dma_wait3A] : memref<10112x16xf32, #tpu.memory_space<vmem_shared>> -> memref<632x16xf32, #tpu.memory_space<vmem_shared>>
      %dma_wait3A_15 = arith.constant 0 : i32
      %dma_wait3A_16 = tpu.memref_slice %arg5[%mul3A_2, %dma_wait3A_15] : memref<10112x16xf32, #tpu.memory_space<hbm>> -> memref<632x16xf32, #tpu.memory_space<hbm>>
      tpu.wait_dma2 semaphore(%run_scoped3A : memref<!tpu.dma_semaphore, #tpu.memory_space<semaphore_mem>>) src(%dma_wait3A_16 : memref<632x16xf32, #tpu.memory_space<hbm>>) dst(%dma_wait3A_14 : memref<632x16xf32, #tpu.memory_space<vmem_shared>>)
      tpu.yield
    }) : () -> ()
    %barrier3A = arith.constant 0 : index
    tpu.barrier barrier_id(%barrier3A)
    %mul3A_3 = arith.constant 10112 : i32
    %mul3A_4 = arith.muli %add3A, %mul3A_3 : i32
    %scan3A = arith.constant 0 : i32
    %scan3A_5 = arith.constant 0 : i32
    %scan3A_6 = arith.constant 79 : i32
    %scan3A_7 = arith.addi %scan3A_5, %scan3A_6 : i32
    %scan3A_8 = arith.constant 1 : i32
    scf.for %scan3A_11 = %scan3A_5 to %scan3A_7 step %scan3A_8  : i32 {
      %mul3A_12 = arith.constant 128 : i32
      %mul3A_13 = arith.muli %scan3A_11, %mul3A_12 : i32
      %add3A_14 = arith.addi %mul3A_4, %mul3A_13 : i32
      "tpu.region"() ({
        %run_scoped3A = tpu.sem_alloc : memref<!tpu.dma_semaphore, #tpu.memory_space<semaphore_mem>>
        %dma_start3A_19 = tpu.memref_slice %arg4[%add3A_14] : memref<323584xi32, #tpu.memory_space<hbm>> -> memref<128xi32, #tpu.memory_space<hbm>>
        %dma_start3A_20 = tpu.memref_slice %arg4[%add3A_14] : memref<323584xi32, #tpu.memory_space<hbm>> -> memref<128xi32, #tpu.memory_space<hbm>>
        tpu.enqueue_dma source(%dma_start3A_20 : memref<128xi32, #tpu.memory_space<hbm>>) target(%arg8 : memref<128xi32, #tpu.memory_space<vmem>>) target_semaphore(%run_scoped3A : memref<!tpu.dma_semaphore, #tpu.memory_space<semaphore_mem>>)
        %dma_wait3A_21 = tpu.memref_slice %arg4[%add3A_14] : memref<323584xi32, #tpu.memory_space<hbm>> -> memref<128xi32, #tpu.memory_space<hbm>>
        %dma_wait3A_22 = tpu.memref_slice %arg4[%add3A_14] : memref<323584xi32, #tpu.memory_space<hbm>> -> memref<128xi32, #tpu.memory_space<hbm>>
        tpu.wait_dma2 semaphore(%run_scoped3A : memref<!tpu.dma_semaphore, #tpu.memory_space<semaphore_mem>>) src(%dma_wait3A_22 : memref<128xi32, #tpu.memory_space<hbm>>) dst(%arg8 : memref<128xi32, #tpu.memory_space<vmem>>)
        tpu.yield
      }) : () -> ()
      "tpu.region"() ({
        %run_scoped3A = tpu.sem_alloc : memref<!tpu.dma_semaphore, #tpu.memory_space<semaphore_mem>>
        %dma_start3A_19 = tpu.memref_slice %arg3[%add3A_14] : memref<323584xi32, #tpu.memory_space<hbm>> -> memref<128xi32, #tpu.memory_space<hbm>>
        %dma_start3A_20 = tpu.memref_slice %arg3[%add3A_14] : memref<323584xi32, #tpu.memory_space<hbm>> -> memref<128xi32, #tpu.memory_space<hbm>>
        tpu.enqueue_dma source(%dma_start3A_20 : memref<128xi32, #tpu.memory_space<hbm>>) target(%arg7 : memref<128xi32, #tpu.memory_space<vmem>>) target_semaphore(%run_scoped3A : memref<!tpu.dma_semaphore, #tpu.memory_space<semaphore_mem>>)
        %dma_wait3A_21 = tpu.memref_slice %arg3[%add3A_14] : memref<323584xi32, #tpu.memory_space<hbm>> -> memref<128xi32, #tpu.memory_space<hbm>>
        %dma_wait3A_22 = tpu.memref_slice %arg3[%add3A_14] : memref<323584xi32, #tpu.memory_space<hbm>> -> memref<128xi32, #tpu.memory_space<hbm>>
        tpu.wait_dma2 semaphore(%run_scoped3A : memref<!tpu.dma_semaphore, #tpu.memory_space<semaphore_mem>>) src(%dma_wait3A_22 : memref<128xi32, #tpu.memory_space<hbm>>) dst(%arg7 : memref<128xi32, #tpu.memory_space<vmem>>)
        tpu.yield
      }) : () -> ()
      %dma_start3A = arith.constant 0 : i32
      %dma_start3A_15 = arith.constant 0 : i32
      %dma_start3A_16 = tpu.memref_slice %arg2[%dma_start3A, %dma_start3A_15] : memref<10000x16xf32, #tpu.memory_space<hbm>> -> memref<10000x16xf32, #tpu.memory_space<hbm>>
      tpu.enqueue_indirect_dma source(%dma_start3A_16 : memref<10000x16xf32, #tpu.memory_space<hbm>>) target(%arg9 : memref<128x16xf32, #tpu.memory_space<vmem>>) offsets(%arg7 : memref<128xi32, #tpu.memory_space<vmem>>) semaphore(%arg11 : memref<!tpu.dma_semaphore, #tpu.memory_space<semaphore_mem>>)
      %dma_wait3A = arith.constant 0 : i32
      %dma_wait3A_17 = arith.constant 0 : i32
      %dma_wait3A_18 = tpu.memref_slice %arg2[%dma_wait3A, %dma_wait3A_17] : memref<10000x16xf32, #tpu.memory_space<hbm>> -> memref<10000x16xf32, #tpu.memory_space<hbm>>
      tpu.wait_indirect_dma semaphore(%arg11 : memref<!tpu.dma_semaphore, #tpu.memory_space<semaphore_mem>>) src(%dma_wait3A_18 : memref<10000x16xf32, #tpu.memory_space<hbm>>) dst(%arg9 : memref<128x16xf32, #tpu.memory_space<vmem>>)
      "tpu.region"() ({
        %run_scoped3A = tpu.sem_alloc : memref<!tpu.dma_semaphore, #tpu.memory_space<semaphore_mem>>
        %dma_start3A_19 = arith.constant 0 : i32
        %dma_start3A_20 = arith.constant 0 : i32
        %dma_start3A_21 = tpu.memref_slice %arg10[%dma_start3A_19, %dma_start3A_20] : memref<10112x16xf32, #tpu.memory_space<vmem_shared>> -> memref<10112x16xf32, #tpu.memory_space<vmem_shared>>
        tpu.enqueue_indirect_dma source(%arg9 : memref<128x16xf32, #tpu.memory_space<vmem>>) target(%dma_start3A_21 : memref<10112x16xf32, #tpu.memory_space<vmem_shared>>) offsets(%arg8 : memref<128xi32, #tpu.memory_space<vmem>>) semaphore(%run_scoped3A : memref<!tpu.dma_semaphore, #tpu.memory_space<semaphore_mem>>) {add = true}
        %dma_wait3A_22 = arith.constant 0 : i32
        %dma_wait3A_23 = arith.constant 0 : i32
        %dma_wait3A_24 = tpu.memref_slice %arg10[%dma_wait3A_22, %dma_wait3A_23] : memref<10112x16xf32, #tpu.memory_space<vmem_shared>> -> memref<10112x16xf32, #tpu.memory_space<vmem_shared>>
        tpu.wait_indirect_dma semaphore(%run_scoped3A : memref<!tpu.dma_semaphore, #tpu.memory_space<semaphore_mem>>) src(%arg9 : memref<128x16xf32, #tpu.memory_space<vmem>>) dst(%dma_wait3A_24 : memref<10112x16xf32, #tpu.memory_space<vmem_shared>>)
        tpu.yield
      }) : () -> ()
    }
    %scan3A_9 = arith.constant 79 : i32
    %barrier3A_10 = arith.constant 0 : index
    tpu.barrier barrier_id(%barrier3A_10)
    "tpu.region"() ({
      %run_scoped3A = tpu.sem_alloc : memref<!tpu.dma_semaphore, #tpu.memory_space<semaphore_mem>>
      %dma_start3A = arith.constant 0 : i32
      %dma_start3A_11 = tpu.memref_slice %arg6[%arg0, %mul3A_2, %dma_start3A] : memref<2x10112x16xf32, #tpu.memory_space<hbm>> -> memref<1x632x16xf32, #tpu.memory_space<hbm>>
      %dma_start3A_12 = tpu.memref_squeeze %dma_start3A_11 : memref<1x632x16xf32, #tpu.memory_space<hbm>> -> memref<632x16xf32, #tpu.memory_space<hbm>>
      %dma_start3A_13 = arith.constant 0 : i32
      %dma_start3A_14 = tpu.memref_slice %arg10[%mul3A_2, %dma_start3A_13] : memref<10112x16xf32, #tpu.memory_space<vmem_shared>> -> memref<632x16xf32, #tpu.memory_space<vmem_shared>>
      tpu.enqueue_dma source(%dma_start3A_14 : memref<632x16xf32, #tpu.memory_space<vmem_shared>>) target(%dma_start3A_12 : memref<632x16xf32, #tpu.memory_space<hbm>>) target_semaphore(%run_scoped3A : memref<!tpu.dma_semaphore, #tpu.memory_space<semaphore_mem>>)
      %dma_wait3A = arith.constant 0 : i32
      %dma_wait3A_15 = tpu.memref_slice %arg6[%arg0, %mul3A_2, %dma_wait3A] : memref<2x10112x16xf32, #tpu.memory_space<hbm>> -> memref<1x632x16xf32, #tpu.memory_space<hbm>>
      %dma_wait3A_16 = tpu.memref_squeeze %dma_wait3A_15 : memref<1x632x16xf32, #tpu.memory_space<hbm>> -> memref<632x16xf32, #tpu.memory_space<hbm>>
      %dma_wait3A_17 = arith.constant 0 : i32
      %dma_wait3A_18 = tpu.memref_slice %arg10[%mul3A_2, %dma_wait3A_17] : memref<10112x16xf32, #tpu.memory_space<vmem_shared>> -> memref<632x16xf32, #tpu.memory_space<vmem_shared>>
      tpu.wait_dma2 semaphore(%run_scoped3A : memref<!tpu.dma_semaphore, #tpu.memory_space<semaphore_mem>>) src(%dma_wait3A_18 : memref<632x16xf32, #tpu.memory_space<vmem_shared>>) dst(%dma_wait3A_16 : memref<632x16xf32, #tpu.memory_space<hbm>>)
      tpu.yield
    }) : () -> ()
    return
  }
}

#map = affine_map<(d0, d1) -> (0, 0)>
#map1 = affine_map<(d0, d1) -> (0)>
#map2 = affine_map<(d0, d1) -> (0, 0, 0)>
module attributes {stable_mosaic.version = 14 : i64} {
  func.func @k(%arg0: i32, %arg1: i32, %arg2: memref<10000x48xf32, #tpu.memory_space<hbm>>, %arg3: memref<323584xi32, #tpu.memory_space<hbm>>, %arg4: memref<323584xi32, #tpu.memory_space<hbm>>, %arg5: memref<10112x48xf32, #tpu.memory_space<hbm>>, %arg6: memref<2x10112x48xf32, #tpu.memory_space<hbm>>, %arg7: memref<128xi32, #tpu.memory_space<vmem>>, %arg8: memref<128xi32, #tpu.memory_space<vmem>>, %arg9: memref<128x48xf32, #tpu.memory_space<vmem>>, %arg10: memref<10112x48xf32, #tpu.memory_space<vmem_shared>>, %arg11: memref<!tpu.dma_semaphore, #tpu.memory_space<semaphore_mem>>) attributes {dimension_semantics = [#tpu.dimension_semantics<core_parallel>, #tpu.dimension_semantics<subcore_parallel>], iteration_bounds = array<i64: 2, 16>, scalar_prefetch = 0 : i64, scratch_operands = 5 : i64, tpu.core_type = #tpu.core_type<sc_vector_subcore>, window_params = [{transform_indices = #map}, {transform_indices = #map1}, {transform_indices = #map1}, {transform_indices = #map}, {transform_indices = #map2}]} {
    %mul3A = arith.constant 2 : i32
    %mul3A_0 = arith.muli %arg1, %mul3A : i32
    %add3A = arith.addi %mul3A_0, %arg0 : i32
    %mul3A_1 = arith.constant 632 : i32
    %mul3A_2 = arith.muli %arg1, %mul3A_1 : i32
    "tpu.region"() ({
      %run_scoped3A = tpu.sem_alloc : memref<!tpu.dma_semaphore, #tpu.memory_space<semaphore_mem>>
      %dma_start3A = arith.constant 0 : i32
      %dma_start3A_11 = tpu.memref_slice %arg10[%mul3A_2, %dma_start3A] : memref<10112x48xf32, #tpu.memory_space<vmem_shared>> -> memref<632x48xf32, #tpu.memory_space<vmem_shared>>
      %dma_start3A_12 = arith.constant 0 : i32
      %dma_start3A_13 = tpu.memref_slice %arg5[%mul3A_2, %dma_start3A_12] : memref<10112x48xf32, #tpu.memory_space<hbm>> -> memref<632x48xf32, #tpu.memory_space<hbm>>
      tpu.enqueue_dma source(%dma_start3A_13 : memref<632x48xf32, #tpu.memory_space<hbm>>) target(%dma_start3A_11 : memref<632x48xf32, #tpu.memory_space<vmem_shared>>) target_semaphore(%run_scoped3A : memref<!tpu.dma_semaphore, #tpu.memory_space<semaphore_mem>>)
      %dma_wait3A = arith.constant 0 : i32
      %dma_wait3A_14 = tpu.memref_slice %arg10[%mul3A_2, %dma_wait3A] : memref<10112x48xf32, #tpu.memory_space<vmem_shared>> -> memref<632x48xf32, #tpu.memory_space<vmem_shared>>
      %dma_wait3A_15 = arith.constant 0 : i32
      %dma_wait3A_16 = tpu.memref_slice %arg5[%mul3A_2, %dma_wait3A_15] : memref<10112x48xf32, #tpu.memory_space<hbm>> -> memref<632x48xf32, #tpu.memory_space<hbm>>
      tpu.wait_dma2 semaphore(%run_scoped3A : memref<!tpu.dma_semaphore, #tpu.memory_space<semaphore_mem>>) src(%dma_wait3A_16 : memref<632x48xf32, #tpu.memory_space<hbm>>) dst(%dma_wait3A_14 : memref<632x48xf32, #tpu.memory_space<vmem_shared>>)
      tpu.yield
    }) : () -> ()
    %barrier3A = arith.constant 0 : index
    tpu.barrier barrier_id(%barrier3A)
    %mul3A_3 = arith.constant 10112 : i32
    %mul3A_4 = arith.muli %add3A, %mul3A_3 : i32
    %scan3A = arith.constant 0 : i32
    %scan3A_5 = arith.constant 0 : i32
    %scan3A_6 = arith.constant 79 : i32
    %scan3A_7 = arith.addi %scan3A_5, %scan3A_6 : i32
    %scan3A_8 = arith.constant 1 : i32
    scf.for %scan3A_11 = %scan3A_5 to %scan3A_7 step %scan3A_8  : i32 {
      %mul3A_12 = arith.constant 128 : i32
      %mul3A_13 = arith.muli %scan3A_11, %mul3A_12 : i32
      %add3A_14 = arith.addi %mul3A_4, %mul3A_13 : i32
      "tpu.region"() ({
        %run_scoped3A = tpu.sem_alloc : memref<!tpu.dma_semaphore, #tpu.memory_space<semaphore_mem>>
        %dma_start3A_19 = tpu.memref_slice %arg4[%add3A_14] : memref<323584xi32, #tpu.memory_space<hbm>> -> memref<128xi32, #tpu.memory_space<hbm>>
        %dma_start3A_20 = tpu.memref_slice %arg4[%add3A_14] : memref<323584xi32, #tpu.memory_space<hbm>> -> memref<128xi32, #tpu.memory_space<hbm>>
        tpu.enqueue_dma source(%dma_start3A_20 : memref<128xi32, #tpu.memory_space<hbm>>) target(%arg8 : memref<128xi32, #tpu.memory_space<vmem>>) target_semaphore(%run_scoped3A : memref<!tpu.dma_semaphore, #tpu.memory_space<semaphore_mem>>)
        %dma_wait3A_21 = tpu.memref_slice %arg4[%add3A_14] : memref<323584xi32, #tpu.memory_space<hbm>> -> memref<128xi32, #tpu.memory_space<hbm>>
        %dma_wait3A_22 = tpu.memref_slice %arg4[%add3A_14] : memref<323584xi32, #tpu.memory_space<hbm>> -> memref<128xi32, #tpu.memory_space<hbm>>
        tpu.wait_dma2 semaphore(%run_scoped3A : memref<!tpu.dma_semaphore, #tpu.memory_space<semaphore_mem>>) src(%dma_wait3A_22 : memref<128xi32, #tpu.memory_space<hbm>>) dst(%arg8 : memref<128xi32, #tpu.memory_space<vmem>>)
        tpu.yield
      }) : () -> ()
      "tpu.region"() ({
        %run_scoped3A = tpu.sem_alloc : memref<!tpu.dma_semaphore, #tpu.memory_space<semaphore_mem>>
        %dma_start3A_19 = tpu.memref_slice %arg3[%add3A_14] : memref<323584xi32, #tpu.memory_space<hbm>> -> memref<128xi32, #tpu.memory_space<hbm>>
        %dma_start3A_20 = tpu.memref_slice %arg3[%add3A_14] : memref<323584xi32, #tpu.memory_space<hbm>> -> memref<128xi32, #tpu.memory_space<hbm>>
        tpu.enqueue_dma source(%dma_start3A_20 : memref<128xi32, #tpu.memory_space<hbm>>) target(%arg7 : memref<128xi32, #tpu.memory_space<vmem>>) target_semaphore(%run_scoped3A : memref<!tpu.dma_semaphore, #tpu.memory_space<semaphore_mem>>)
        %dma_wait3A_21 = tpu.memref_slice %arg3[%add3A_14] : memref<323584xi32, #tpu.memory_space<hbm>> -> memref<128xi32, #tpu.memory_space<hbm>>
        %dma_wait3A_22 = tpu.memref_slice %arg3[%add3A_14] : memref<323584xi32, #tpu.memory_space<hbm>> -> memref<128xi32, #tpu.memory_space<hbm>>
        tpu.wait_dma2 semaphore(%run_scoped3A : memref<!tpu.dma_semaphore, #tpu.memory_space<semaphore_mem>>) src(%dma_wait3A_22 : memref<128xi32, #tpu.memory_space<hbm>>) dst(%arg7 : memref<128xi32, #tpu.memory_space<vmem>>)
        tpu.yield
      }) : () -> ()
      %dma_start3A = arith.constant 0 : i32
      %dma_start3A_15 = arith.constant 0 : i32
      %dma_start3A_16 = tpu.memref_slice %arg2[%dma_start3A, %dma_start3A_15] : memref<10000x48xf32, #tpu.memory_space<hbm>> -> memref<10000x48xf32, #tpu.memory_space<hbm>>
      tpu.enqueue_indirect_dma source(%dma_start3A_16 : memref<10000x48xf32, #tpu.memory_space<hbm>>) target(%arg9 : memref<128x48xf32, #tpu.memory_space<vmem>>) offsets(%arg7 : memref<128xi32, #tpu.memory_space<vmem>>) semaphore(%arg11 : memref<!tpu.dma_semaphore, #tpu.memory_space<semaphore_mem>>)
      %dma_wait3A = arith.constant 0 : i32
      %dma_wait3A_17 = arith.constant 0 : i32
      %dma_wait3A_18 = tpu.memref_slice %arg2[%dma_wait3A, %dma_wait3A_17] : memref<10000x48xf32, #tpu.memory_space<hbm>> -> memref<10000x48xf32, #tpu.memory_space<hbm>>
      tpu.wait_indirect_dma semaphore(%arg11 : memref<!tpu.dma_semaphore, #tpu.memory_space<semaphore_mem>>) src(%dma_wait3A_18 : memref<10000x48xf32, #tpu.memory_space<hbm>>) dst(%arg9 : memref<128x48xf32, #tpu.memory_space<vmem>>)
      "tpu.region"() ({
        %run_scoped3A = tpu.sem_alloc : memref<!tpu.dma_semaphore, #tpu.memory_space<semaphore_mem>>
        %dma_start3A_19 = arith.constant 0 : i32
        %dma_start3A_20 = arith.constant 0 : i32
        %dma_start3A_21 = tpu.memref_slice %arg10[%dma_start3A_19, %dma_start3A_20] : memref<10112x48xf32, #tpu.memory_space<vmem_shared>> -> memref<10112x48xf32, #tpu.memory_space<vmem_shared>>
        tpu.enqueue_indirect_dma source(%arg9 : memref<128x48xf32, #tpu.memory_space<vmem>>) target(%dma_start3A_21 : memref<10112x48xf32, #tpu.memory_space<vmem_shared>>) offsets(%arg8 : memref<128xi32, #tpu.memory_space<vmem>>) semaphore(%run_scoped3A : memref<!tpu.dma_semaphore, #tpu.memory_space<semaphore_mem>>) {add = true}
        %dma_wait3A_22 = arith.constant 0 : i32
        %dma_wait3A_23 = arith.constant 0 : i32
        %dma_wait3A_24 = tpu.memref_slice %arg10[%dma_wait3A_22, %dma_wait3A_23] : memref<10112x48xf32, #tpu.memory_space<vmem_shared>> -> memref<10112x48xf32, #tpu.memory_space<vmem_shared>>
        tpu.wait_indirect_dma semaphore(%run_scoped3A : memref<!tpu.dma_semaphore, #tpu.memory_space<semaphore_mem>>) src(%arg9 : memref<128x48xf32, #tpu.memory_space<vmem>>) dst(%dma_wait3A_24 : memref<10112x48xf32, #tpu.memory_space<vmem_shared>>)
        tpu.yield
      }) : () -> ()
    }
    %scan3A_9 = arith.constant 79 : i32
    %barrier3A_10 = arith.constant 0 : index
    tpu.barrier barrier_id(%barrier3A_10)
    "tpu.region"() ({
      %run_scoped3A = tpu.sem_alloc : memref<!tpu.dma_semaphore, #tpu.memory_space<semaphore_mem>>
      %dma_start3A = arith.constant 0 : i32
      %dma_start3A_11 = tpu.memref_slice %arg6[%arg0, %mul3A_2, %dma_start3A] : memref<2x10112x48xf32, #tpu.memory_space<hbm>> -> memref<1x632x48xf32, #tpu.memory_space<hbm>>
      %dma_start3A_12 = tpu.memref_squeeze %dma_start3A_11 : memref<1x632x48xf32, #tpu.memory_space<hbm>> -> memref<632x48xf32, #tpu.memory_space<hbm>>
      %dma_start3A_13 = arith.constant 0 : i32
      %dma_start3A_14 = tpu.memref_slice %arg10[%mul3A_2, %dma_start3A_13] : memref<10112x48xf32, #tpu.memory_space<vmem_shared>> -> memref<632x48xf32, #tpu.memory_space<vmem_shared>>
      tpu.enqueue_dma source(%dma_start3A_14 : memref<632x48xf32, #tpu.memory_space<vmem_shared>>) target(%dma_start3A_12 : memref<632x48xf32, #tpu.memory_space<hbm>>) target_semaphore(%run_scoped3A : memref<!tpu.dma_semaphore, #tpu.memory_space<semaphore_mem>>)
      %dma_wait3A = arith.constant 0 : i32
      %dma_wait3A_15 = tpu.memref_slice %arg6[%arg0, %mul3A_2, %dma_wait3A] : memref<2x10112x48xf32, #tpu.memory_space<hbm>> -> memref<1x632x48xf32, #tpu.memory_space<hbm>>
      %dma_wait3A_16 = tpu.memref_squeeze %dma_wait3A_15 : memref<1x632x48xf32, #tpu.memory_space<hbm>> -> memref<632x48xf32, #tpu.memory_space<hbm>>
      %dma_wait3A_17 = arith.constant 0 : i32
      %dma_wait3A_18 = tpu.memref_slice %arg10[%mul3A_2, %dma_wait3A_17] : memref<10112x48xf32, #tpu.memory_space<vmem_shared>> -> memref<632x48xf32, #tpu.memory_space<vmem_shared>>
      tpu.wait_dma2 semaphore(%run_scoped3A : memref<!tpu.dma_semaphore, #tpu.memory_space<semaphore_mem>>) src(%dma_wait3A_18 : memref<632x48xf32, #tpu.memory_space<vmem_shared>>) dst(%dma_wait3A_16 : memref<632x48xf32, #tpu.memory_space<hbm>>)
      tpu.yield
    }) : () -> ()
    return
  }
}

module attributes {stable_mosaic.version = 14 : i64} {
  func.func @_mm1_body(%arg0: memref<10000x128xf32, #tpu.memory_space<vmem>>, %arg1: memref<128x16xf32, #tpu.memory_space<vmem>>, %arg2: memref<10000x16xf32, #tpu.memory_space<vmem>>) attributes {dimension_semantics = [], scalar_prefetch = 0 : i64, scratch_operands = 0 : i64, tpu.core_type = #tpu.core_type<tc>} {
    %get3A = arith.constant 0 : index
    %get3A_0 = arith.constant 0 : index
    %get3A_1 = vector.load %arg0[%get3A, %get3A_0] : memref<10000x128xf32, #tpu.memory_space<vmem>>, vector<10000x128xf32>
    %get3A_2 = arith.constant 0 : index
    %get3A_3 = arith.constant 0 : index
    %get3A_4 = vector.load %arg1[%get3A_2, %get3A_3] : memref<128x16xf32, #tpu.memory_space<vmem>>, vector<128x16xf32>
    %dot_general3A = arith.constant dense<0.000000e+00> : vector<10000x16xf32>
    %dot_general3A_5 = tpu.matmul %get3A_1, %get3A_4, %dot_general3A {dimension_numbers = #tpu.dot_dimension_numbers<[1], [0], [0], [1], [0, 0, 1, 1], [], []>, transpose_lhs_hint = false} : vector<10000x128xf32>, vector<128x16xf32>, vector<10000x16xf32> -> vector<10000x16xf32>
    %swap3A = arith.constant 0 : index
    %swap3A_6 = arith.constant 0 : index
    %swap3A_7 = vector.load %arg2[%swap3A, %swap3A_6] : memref<10000x16xf32, #tpu.memory_space<vmem>>, vector<10000x16xf32>
    tpu.vector_store %arg2[%swap3A, %swap3A_6], %dot_general3A_5 {strides = array<i32>} : memref<10000x16xf32, #tpu.memory_space<vmem>>, vector<10000x16xf32>,
    return
  }
}

module attributes {stable_mosaic.version = 14 : i64} {
  func.func @_scale1_body(%arg0: memref<2x10112x16xf32, #tpu.memory_space<vmem>>, %arg1: memref<10000x16xf32, #tpu.memory_space<vmem>>, %arg2: memref<10000x16xf32, #tpu.memory_space<vmem>>, %arg3: memref<10000x1xf32, #tpu.memory_space<vmem>>) attributes {dimension_semantics = [], scalar_prefetch = 0 : i64, scratch_operands = 0 : i64, tpu.core_type = #tpu.core_type<tc>} {
    %get3A = arith.constant 0 : index
    %get3A_0 = arith.constant 0 : index
    %get3A_1 = arith.constant 0 : index
    %get3A_2 = vector.load %arg0[%get3A, %get3A_0, %get3A_1] : memref<2x10112x16xf32, #tpu.memory_space<vmem>>, vector<1x10000x1xf32>
    %get3A_3 = vector.shape_cast %get3A_2 : vector<1x10000x1xf32> to vector<10000x1xf32>
    %get3A_4 = arith.constant 1 : index
    %get3A_5 = arith.constant 0 : index
    %get3A_6 = arith.constant 0 : index
    %get3A_7 = vector.load %arg0[%get3A_4, %get3A_5, %get3A_6] : memref<2x10112x16xf32, #tpu.memory_space<vmem>>, vector<1x10000x1xf32>
    %get3A_8 = vector.shape_cast %get3A_7 : vector<1x10000x1xf32> to vector<10000x1xf32>
    %add3A = arith.addf %get3A_3, %get3A_8 : vector<10000x1xf32>
    %add3A_9 = arith.constant 1.000000e+00 : f32
    %add3A_10 = vector.broadcast %add3A_9 : f32 to vector<10000x1xf32>
    %add3A_11 = arith.addf %add3A, %add3A_10 : vector<10000x1xf32>
    %rsqrt3A = math.rsqrt %add3A_11 : vector<10000x1xf32>
    %swap3A = arith.constant 0 : index
    %swap3A_12 = arith.constant 0 : index
    %swap3A_13 = vector.load %arg3[%swap3A, %swap3A_12] : memref<10000x1xf32, #tpu.memory_space<vmem>>, vector<10000x1xf32>
    tpu.vector_store %arg3[%swap3A, %swap3A_12], %rsqrt3A {strides = array<i32>} : memref<10000x1xf32, #tpu.memory_space<vmem>>, vector<10000x1xf32>,
    %get3A_14 = arith.constant 0 : index
    %get3A_15 = arith.constant 0 : index
    %get3A_16 = vector.load %arg1[%get3A_14, %get3A_15] : memref<10000x16xf32, #tpu.memory_space<vmem>>, vector<10000x16xf32>
    %mul3A = vector.broadcast %rsqrt3A : vector<10000x1xf32> to vector<10000x16xf32>
    %mul3A_17 = arith.mulf %get3A_16, %mul3A : vector<10000x16xf32>
    %swap3A_18 = arith.constant 0 : index
    %swap3A_19 = arith.constant 0 : index
    %swap3A_20 = vector.load %arg2[%swap3A_18, %swap3A_19] : memref<10000x16xf32, #tpu.memory_space<vmem>>, vector<10000x16xf32>
    tpu.vector_store %arg2[%swap3A_18, %swap3A_19], %mul3A_17 {strides = array<i32>} : memref<10000x16xf32, #tpu.memory_space<vmem>>, vector<10000x16xf32>,
    return
  }
}

module attributes {stable_mosaic.version = 14 : i64} {
  func.func @_mid_body(%arg0: memref<2x10112x16xf32, #tpu.memory_space<vmem>>, %arg1: memref<10000x16xf32, #tpu.memory_space<vmem>>, %arg2: memref<10000x1xf32, #tpu.memory_space<vmem>>, %arg3: memref<1x16xf32, #tpu.memory_space<vmem>>, %arg4: memref<16x48xf32, #tpu.memory_space<vmem>>, %arg5: memref<10000x48xf32, #tpu.memory_space<vmem>>) attributes {dimension_semantics = [], scalar_prefetch = 0 : i64, scratch_operands = 0 : i64, tpu.core_type = #tpu.core_type<tc>} {
    %get3A = arith.constant 0 : index
    %get3A_0 = arith.constant 0 : index
    %get3A_1 = arith.constant 0 : index
    %get3A_2 = vector.load %arg0[%get3A, %get3A_0, %get3A_1] : memref<2x10112x16xf32, #tpu.memory_space<vmem>>, vector<1x10000x16xf32>
    %get3A_3 = vector.shape_cast %get3A_2 : vector<1x10000x16xf32> to vector<10000x16xf32>
    %get3A_4 = arith.constant 1 : index
    %get3A_5 = arith.constant 0 : index
    %get3A_6 = arith.constant 0 : index
    %get3A_7 = vector.load %arg0[%get3A_4, %get3A_5, %get3A_6] : memref<2x10112x16xf32, #tpu.memory_space<vmem>>, vector<1x10000x16xf32>
    %get3A_8 = vector.shape_cast %get3A_7 : vector<1x10000x16xf32> to vector<10000x16xf32>
    %add3A = arith.addf %get3A_3, %get3A_8 : vector<10000x16xf32>
    %get3A_9 = arith.constant 0 : index
    %get3A_10 = arith.constant 0 : index
    %get3A_11 = vector.load %arg2[%get3A_9, %get3A_10] : memref<10000x1xf32, #tpu.memory_space<vmem>>, vector<10000x1xf32>
    %get3A_12 = arith.constant 0 : index
    %get3A_13 = arith.constant 0 : index
    %get3A_14 = vector.load %arg1[%get3A_12, %get3A_13] : memref<10000x16xf32, #tpu.memory_space<vmem>>, vector<10000x16xf32>
    %add3A_15 = arith.addf %add3A, %get3A_14 : vector<10000x16xf32>
    %mul3A = vector.broadcast %get3A_11 : vector<10000x1xf32> to vector<10000x16xf32>
    %mul3A_16 = arith.mulf %mul3A, %add3A_15 : vector<10000x16xf32>
    %get3A_17 = arith.constant 0 : index
    %get3A_18 = arith.constant 0 : index
    %get3A_19 = vector.load %arg3[%get3A_17, %get3A_18] : memref<1x16xf32, #tpu.memory_space<vmem>>, vector<1x16xf32>
    %add3A_20 = vector.broadcast %get3A_19 : vector<1x16xf32> to vector<10000x16xf32>
    %add3A_21 = arith.addf %mul3A_16, %add3A_20 : vector<10000x16xf32>
    %max3A = arith.constant 0.000000e+00 : f32
    %max3A_22 = vector.broadcast %max3A : f32 to vector<10000x16xf32>
    %max3A_23 = arith.maximumf %add3A_21, %max3A_22 : vector<10000x16xf32>
    %get3A_24 = arith.constant 0 : index
    %get3A_25 = arith.constant 0 : index
    %get3A_26 = vector.load %arg4[%get3A_24, %get3A_25] : memref<16x48xf32, #tpu.memory_space<vmem>>, vector<16x48xf32>
    %dot_general3A = arith.constant dense<0.000000e+00> : vector<10000x48xf32>
    %dot_general3A_27 = tpu.matmul %max3A_23, %get3A_26, %dot_general3A {dimension_numbers = #tpu.dot_dimension_numbers<[1], [0], [0], [1], [0, 0, 1, 1], [], []>, transpose_lhs_hint = false} : vector<10000x16xf32>, vector<16x48xf32>, vector<10000x48xf32> -> vector<10000x48xf32>
    %get3A_28 = arith.constant 0 : index
    %get3A_29 = arith.constant 0 : index
    %get3A_30 = vector.load %arg2[%get3A_28, %get3A_29] : memref<10000x1xf32, #tpu.memory_space<vmem>>, vector<10000x1xf32>
    %mul3A_31 = vector.broadcast %get3A_30 : vector<10000x1xf32> to vector<10000x48xf32>
    %mul3A_32 = arith.mulf %dot_general3A_27, %mul3A_31 : vector<10000x48xf32>
    %swap3A = arith.constant 0 : index
    %swap3A_33 = arith.constant 0 : index
    %swap3A_34 = vector.load %arg5[%swap3A, %swap3A_33] : memref<10000x48xf32, #tpu.memory_space<vmem>>, vector<10000x48xf32>
    tpu.vector_store %arg5[%swap3A, %swap3A_33], %mul3A_32 {strides = array<i32>} : memref<10000x48xf32, #tpu.memory_space<vmem>>, vector<10000x48xf32>,
    return
  }
}

module attributes {stable_mosaic.version = 14 : i64} {
  func.func @_fin_body(%arg0: memref<2x10112x48xf32, #tpu.memory_space<vmem>>, %arg1: memref<10000x48xf32, #tpu.memory_space<vmem>>, %arg2: memref<10000x1xf32, #tpu.memory_space<vmem>>, %arg3: memref<1x48xf32, #tpu.memory_space<vmem>>, %arg4: memref<10000x48xf32, #tpu.memory_space<vmem>>) attributes {dimension_semantics = [], scalar_prefetch = 0 : i64, scratch_operands = 0 : i64, tpu.core_type = #tpu.core_type<tc>} {
    %get3A = arith.constant 0 : index
    %get3A_0 = arith.constant 0 : index
    %get3A_1 = arith.constant 0 : index
    %get3A_2 = vector.load %arg0[%get3A, %get3A_0, %get3A_1] : memref<2x10112x48xf32, #tpu.memory_space<vmem>>, vector<1x10000x48xf32>
    %get3A_3 = vector.shape_cast %get3A_2 : vector<1x10000x48xf32> to vector<10000x48xf32>
    %get3A_4 = arith.constant 1 : index
    %get3A_5 = arith.constant 0 : index
    %get3A_6 = arith.constant 0 : index
    %get3A_7 = vector.load %arg0[%get3A_4, %get3A_5, %get3A_6] : memref<2x10112x48xf32, #tpu.memory_space<vmem>>, vector<1x10000x48xf32>
    %get3A_8 = vector.shape_cast %get3A_7 : vector<1x10000x48xf32> to vector<10000x48xf32>
    %add3A = arith.addf %get3A_3, %get3A_8 : vector<10000x48xf32>
    %get3A_9 = arith.constant 0 : index
    %get3A_10 = arith.constant 0 : index
    %get3A_11 = vector.load %arg2[%get3A_9, %get3A_10] : memref<10000x1xf32, #tpu.memory_space<vmem>>, vector<10000x1xf32>
    %get3A_12 = arith.constant 0 : index
    %get3A_13 = arith.constant 0 : index
    %get3A_14 = vector.load %arg1[%get3A_12, %get3A_13] : memref<10000x48xf32, #tpu.memory_space<vmem>>, vector<10000x48xf32>
    %add3A_15 = arith.addf %add3A, %get3A_14 : vector<10000x48xf32>
    %mul3A = vector.broadcast %get3A_11 : vector<10000x1xf32> to vector<10000x48xf32>
    %mul3A_16 = arith.mulf %mul3A, %add3A_15 : vector<10000x48xf32>
    %get3A_17 = arith.constant 0 : index
    %get3A_18 = arith.constant 0 : index
    %get3A_19 = vector.load %arg3[%get3A_17, %get3A_18] : memref<1x48xf32, #tpu.memory_space<vmem>>, vector<1x48xf32>
    %add3A_20 = vector.broadcast %get3A_19 : vector<1x48xf32> to vector<10000x48xf32>
    %add3A_21 = arith.addf %mul3A_16, %add3A_20 : vector<10000x48xf32>
    %reduce_max3A = arith.constant dense<0xFF800000> : vector<10000xf32>
    %reduce_max3A_22 = vector.multi_reduction <maximumf>, %add3A_21, %reduce_max3A [1] : vector<10000x48xf32> to vector<10000xf32>
    %broadcast_in_dim3A = vector.shape_cast %reduce_max3A_22 : vector<10000xf32> to vector<10000x1xf32>
    %sub3A = vector.broadcast %broadcast_in_dim3A : vector<10000x1xf32> to vector<10000x48xf32>
    %sub3A_23 = arith.subf %add3A_21, %sub3A : vector<10000x48xf32>
    %exp3A = math.exp %sub3A_23 : vector<10000x48xf32>
    %reduce_sum3A = arith.constant dense<0.000000e+00> : vector<10000xf32>
    %reduce_sum3A_24 = vector.multi_reduction <add>, %exp3A, %reduce_sum3A [1] : vector<10000x48xf32> to vector<10000xf32>
    %broadcast_in_dim3A_25 = vector.shape_cast %reduce_sum3A_24 : vector<10000xf32> to vector<10000x1xf32>
    %log3A = math.log %broadcast_in_dim3A_25 : vector<10000x1xf32>
    %add3A_26 = arith.addf %log3A, %broadcast_in_dim3A : vector<10000x1xf32>
    %sub3A_27 = vector.broadcast %add3A_26 : vector<10000x1xf32> to vector<10000x48xf32>
    %sub3A_28 = arith.subf %add3A_21, %sub3A_27 : vector<10000x48xf32>
    %swap3A = arith.constant 0 : index
    %swap3A_29 = arith.constant 0 : index
    %swap3A_30 = vector.load %arg4[%swap3A, %swap3A_29] : memref<10000x48xf32, #tpu.memory_space<vmem>>, vector<10000x48xf32>
    tpu.vector_store %arg4[%swap3A, %swap3A_29], %sub3A_28 {strides = array<i32>} : memref<10000x48xf32, #tpu.memory_space<vmem>>, vector<10000x48xf32>,
    return
  }
}

</mosaic_0001>

<sc_bundles>
// kernel: kernel.12.cloned.1.call-start
scs
__scs_entry_jumppad:
0x0: {  	(pc) =	sbr.rel $0x88, $3  }
0x1: {  	(tag) =	ssettag $0x0;
	lr =	simm.s32 $0x1  }
0x2: {  	[smem:$0x3F9B] =	sst lr;
	_ =	strace $0xD0000000  }
0x3: {  	_ = 	snop  }
0x4: {  	_ = 	snop  }
0x5: {  	_ = 	snop  }
0x6: {  	_ = 	snop  }
0x7: {  	_ = 	snop  }
__scs_overlays_trampoline_lowered:
0x8: {  	[smem:$0x3FAA] =	sst s0  }
0x9: {  	[smem:$0x3FAB] =	sst s1  }
0xa: {  	[smem:$0x3FAC] =	sst s2  }
0xb: {  	[smem:$0x3FAD] =	sst s3  }
0xc: {  	[smem:$0x3FAE] =	sst s4  }
0xd: {  	[smem:$0x3FAF] =	sst s5  }
0xe: {  	[smem:$0x3FB0] =	sst s6  }
0xf: {  	[smem:$0x3FB1] =	sst s7  }
0x10: {  	[smem:$0x3FB2] =	sst s8  }
0x11: {  	[smem:$0x3FB3] =	sst s9;
	s0 =	simm.s32 @!p0 $0x0  }
0x12: {  	s1 =	sld [smem:$0x3F99];
	s0 =	simm.s32 @p0 $0x1  }
0x13: {  	[smem:$0x3FB4] =	sst s0;
	s0 =	simm.s32 @!p1 $0x0  }
0x14: {  	s2 =	sld [smem:$0x3F98];
	s0 =	simm.s32 @p1 $0x1  }
0x15: {  	[smem:$0x3FB5] =	sst s0;
	s0 =	simm.s32 @!p2 $0x0  }
0x16: {  	s3 =	sld [smem:$0x3FDB];
	s0 =	simm.s32 @p2 $0x1  }
0x17: {  	s4 =	simm.s32 $0x1BF5;
	[smem:$0x3FB7] =	sst s0  }
0x18: {  	s0 =	sld [smem:$0x3F9A];
	_ =	swait.ge [sflag:s4], $0x0  }
0x19: {  	s7 =	sld [smem:$0x3F9B]  }
0x1a: {  	s8 =	sadd.s32 $0xFFFFE003, lr  }
0x1b: {  	s9 =	sadd.s32 $0xFFFFFEF7, lr;
	s5 =	simm.s32 $0xFFFFFFFF;
	p2 =	slt.u32 s8, $0xFFFFF086  }
0x1c: {  	p1 =	slt.u32 s9, $0xF7A;
	s5 =	simm.s32 @!p2 $0x0  }
0x1d: {  	s5 =	simm.s32 @p1 $0x1;
	p0 =	seq.s32 s7, s2  }
0x1e: {  	s7 =	smul.u32 @!p0 $0xF7A, s2;
	p2 =	seq.s32 @!p0 s5, $0x0  }
0x1f: {  	s9 =	smul.u32 $0xF7A, s1;
	s8 =	simm.s32 @!p0 $0x1BF5;
	p2 =	por !p2, p0  }
0x20: {  	[sflag:s8] =	ssyncset.s32 @!p0 $0xFFFFF086;
	s6 =	sadd.s32 @!p0 s3, s7;
	s7 =	simm.s32 @!p0 $0x108  }
0x21: {  	s3 =	sadd.s32 s3, s9;
	s6 =	sadd.s32 @!p0 $0x88, s6;
	s7 =	simm.s32 @p2 $0x1082  }
0x22: {  	[simem:s7], [sflag:s8] =	dma.local @!p0 [hbm:s6], $0xF7A  }
0x23: {  	s9 =	sor.u32 $0xD0000000, s2;
	s6 =	simm.s32 $0x108;
	_ =	swait.ge @!p0 [sflag:s8], $0x0  }
0x24: {  	s3 =	sadd.s32 $0x88, s3;
	s6 =	simm.s32 @!p1 $0x1082;
	[sflag:s4] =	ssyncset.s32 $0xFFFFF086  }
0x25: {  	[simem:s6], [sflag:s4] =	dma.local [hbm:s3], $0xF7A  }
0x26: {  	[smem:$0x3F9B] =	sst s1;
	(tag) =	ssettag s2;
	_ =	strace s9  }
0x27: {  	s1 =	sld [smem:$0x3FAB]  }
0x28: {  	s2 =	sld [smem:$0x3FAC]  }
0x29: {  	s4 =	sld [smem:$0x3FAE]  }
0x2a: {  	p0 =	seq.s32 s5, $0x0;
	s5 =	sld [smem:$0x3FAF]  }
0x2b: {  	s6 =	sld [smem:$0x3FB0]  }
0x2c: {  	s7 =	sld [smem:$0x3FB1]  }
0x2d: {  	s3 =	simm.s32 $0x108;
	s8 =	sld [smem:$0x3FB2]  }
0x2e: {  	s3 =	simm.s32 @!p0 $0x1082;
	s9 =	sld [smem:$0x3FB3]  }
0x2f: {  	lr =	sadd.s32 s0, s3;
	s0 =	sld [smem:$0x3FAA]  }
0x30: {  	s3 =	sld [smem:$0x3FAD]  }
0x31: {  	[smem:$0x3FB6] =	sst s10  }
0x32: {  	s10 =	sld [smem:$0x3FB4];
	_ =	sdelay $0x3  }
0x33: {  	p0 =	seq.s32 s10, $0x1;
	s10 =	sld [smem:$0x3FB6];
	_ =	sdelay $0x3  }
0x34: {  	[smem:$0x3FB6] =	sst s10  }
0x35: {  	s10 =	sld [smem:$0x3FB5];
	_ =	sdelay $0x3  }
0x36: {  	p1 =	seq.s32 s10, $0x1;
	s10 =	sld [smem:$0x3FB6];
	_ =	sdelay $0x3  }
0x37: {  	[smem:$0x3FB6] =	sst s10  }
0x38: {  	s10 =	sld [smem:$0x3FB7]  }
0x39: {  	_ = 	snop;
	(pc) =	sbr.ind lr, $3  }
0x3a: {  	_ = 	snop  }
0x3b: {  	_ = 	snop  }
0x3c: {  	p2 =	seq.s32 s10, $0x1;
	s10 =	sld [smem:$0x3FB6]  }
0x3d: {  	_ =	shalt  }
0x3e: {  	_ =	shalt  }
0x3f: {  	_ =	shalt  }
0x40: {  	_ =	shalt  }
0x41: {  	_ =	shalt  }
0x42: {  	_ =	shalt  }
0x43: {  	_ =	shalt  }
0x44: {  	_ =	shalt  }
0x45: {  	_ =	shalt  }
0x46: {  	_ =	shalt  }
0x47: {  	_ =	shalt  }
0x48: {  	_ =	shalt  }
0x49: {  	_ =	shalt  }
0x4a: {  	_ =	shalt  }
0x4b: {  	_ =	shalt  }
0x4c: {  	_ =	shalt  }
0x4d: {  	_ =	shalt  }
0x4e: {  	_ =	shalt  }
0x4f: {  	_ =	shalt  }
0x50: {  	_ =	shalt  }
0x51: {  	_ =	shalt  }
0x52: {  	_ =	shalt  }
0x53: {  	_ =	shalt  }
0x54: {  	_ =	shalt  }
0x55: {  	_ =	shalt  }
0x56: {  	_ =	shalt  }
0x57: {  	_ =	shalt  }
0x58: {  	_ =	shalt  }
0x59: {  	_ =	shalt  }
0x5a: {  	_ =	shalt  }
0x5b: {  	_ =	shalt  }
0x5c: {  	_ =	shalt  }
0x5d: {  	_ =	shalt  }
0x5e: {  	_ =	shalt  }
0x5f: {  	_ =	shalt  }
0x60: {  	_ =	shalt  }
0x61: {  	_ =	shalt  }
0x62: {  	_ =	shalt  }
0x63: {  	_ =	shalt  }
0x64: {  	_ =	shalt  }
0x65: {  	_ =	shalt  }
0x66: {  	_ =	shalt  }
0x67: {  	_ =	shalt  }
0x68: {  	_ =	shalt  }
0x69: {  	_ =	shalt  }
0x6a: {  	_ =	shalt  }
0x6b: {  	_ =	shalt  }
0x6c: {  	_ =	shalt  }
0x6d: {  	_ =	shalt  }
0x6e: {  	_ =	shalt  }
0x6f: {  	_ =	shalt  }
0x70: {  	_ =	shalt  }
0x71: {  	_ =	shalt  }
0x72: {  	_ =	shalt  }
0x73: {  	_ =	shalt  }
0x74: {  	_ =	shalt  }
0x75: {  	_ =	shalt  }
0x76: {  	_ =	shalt  }
0x77: {  	_ =	shalt  }
0x78: {  	_ =	shalt  }
0x79: {  	_ =	shalt  }
0x7a: {  	_ =	shalt  }
0x7b: {  	_ =	shalt  }
0x7c: {  	_ =	shalt  }
0x7d: {  	_ =	shalt  }
0x7e: {  	_ =	shalt  }
0x7f: {  	_ =	shalt  }
0x80: {  	_ =	shalt  }
0x81: {  	_ =	shalt  }
0x82: {  	_ =	shalt  }
0x83: {  	_ =	shalt  }
0x84: {  	_ =	shalt  }
0x85: {  	_ =	shalt  }
0x86: {  	_ =	shalt  }
0x87: {  	_ =	shalt  }
.Lfunc_end0:
.L_simem_size_0:
called_computation.1_lowered:
.L_overlay_start_0:
0x88: {  	s2 =	sld [smem:$0x3FD9]  }
0x89: {  	s3 =	sld [smem:$0x3FFE];
	_ =	sdelay $0x1  }
0x8a: {  	s1 =	srdreg.scid  }
0x8b: {  	s0 =	sand.u32 $0x1, s1  }
0x8c: {  	s17 =	sshll.u32 s0, $0xA;
	s2 =	sadd.s32 s3, s2  }
0x8d: {  	s2 =	sadd.s32 s2, s17  }
0x8e: {  	[smem:$0x3FC2] =	sst s2  }
0x8f: {  	_ = 	snop  }
0x90: {  	s2 =	sld [smem:$0x3FD0];
	(tm) =	ssettm $0x1  }
0x91: {  	s18 =	sld [smem:$0x3FFB];
	_ =	sdelay $0x3  }
0x92: {  	_ =	strace s18  }
0x93: {  	s3 =	sld [smem:$0x3FFC];
	_ =	sdelay $0x3  }
0x94: {  	_ =	strace s3  }
0x95: {  	s3 =	sld [smem:$0x3FFD];
	_ =	sdelay $0x3  }
0x96: {  	_ =	strace s3  }
0x97: {  	_ =	strace $0x8FFFFFFF  }
0x98: {  	s19 =	sld [smem:$0x3FDB];
	_ =	sdelay $0x1  }
0x99: {  	s4 =	simm.s32 $_scs_section_size  }
0x9a: {  	s5 =	simm.s32 $_size__tile_overlayer_lowered;
	s6 =	simm.s32 $_tile_overlayer_lowered  }
0x9b: {  	s22 =	simm.s32 $0x1BFF;
	s21 =	sshll.u32 s6, $0x1;
	s3 =	sadd.s32 s4, s19  }
0x9c: {  	s7 =	simm.s32 $0x0;
	s20 =	sshll.u32 s5, $0x1;
	s5 =	sadd.s32 s21, s3  }
0x9d: {  	[timem:s7], [sflag:s22] =	dma.local [hbm:s5], s20  }
0x9e: {  	_ =	swait.ge [sflag:s22], s20  }
0x9f: {  	s4 =	ssub.s32 $0x0, s20;
	[sflag:s22] =	ssyncset.done $0x0  }
0xa0: {  	[sflag:s22] =	ssyncadd.s32 s4;
	_ =	sdelay $0x1  }
0xa1: {  	s23 =	simm.s32 $0x1B8B  }
0xa2: {  	_ =	swait.ge [sflag:s23], $0x1  }
0xa3: {  	[sflag:s23] =	ssyncset.done $0x0  }
0xa4: {  	s25 =	simm.s32 $0x1B8E;
	s24 =	sld [smem:$0x3FFE];
	[sflag:s23] =	ssyncadd.s32 $0xFFFFFFFF  }
0xa5: {  	s26 =	simm.s32 $execute0_lowered;
	[smem:$0x3FD2] =	sst s25  }
0xa6: {  	s5 =	sshll.u32 s26, $0x1;
	_ =	strace $0x80000049;
	[dreg:$0x1] =	wrdreg $0xFFFFFFFF  }
0xa7: {  	s28 =	simm.s32 $_size_execute0_lowered;
	s3 =	sadd.s32 s3, s5;
	[dreg:$0x0] =	wrdreg $0x0  }
0xa8: {  	s5 =	sshll.u32 s28, $0x1;
	[dreg:$0x2] =	wrdreg s3  }
0xa9: {  	[dreg:$0x3] =	wrdreg s5  }
0xaa: {  	[dreg:$0x4] =	wrdreg $0xC0  }
0xab: {  	_ =	task [dreg:s7], $0x5FFFF  }
0xac: {  	[dreg:$0x1] =	wrdreg $0xFFFFFFFF  }
0xad: {  	[dreg:$0x0] =	wrdreg $0x60  }
0xae: {  	[dreg:$0x2] =	wrdreg s24  }
0xaf: {  	[dreg:$0x3] =	wrdreg s2  }
0xb0: {  	[dreg:$0x4] =	wrdreg $0x9000  }
0xb1: {  	[dreg:$0x5] =	wrdreg $0x9  }
0xb2: {  	_ =	task.clear_ibuf [dreg:s7], $0x6FFFF;
	_ =	strace $0x90000049  }
0xb3: {  	s29 =	simm.s32 $0x9;
	_ =	strace $0x8000004B  }
0xb4: {  	_ =	swait.ge [sflag:s29], $0x1  }
0xb5: {  	[sflag:s29] =	ssyncadd.s32 $0xFFFFFFFF  }
0xb6: {  	_ =	strace $0x9000004B  }
0xb7: {  	_ =	sfence  }
0xb8: {  	s30 =	sld [smem:$0x0];
	_ =	sdelay $0x2  }
0xb9: {  	s31 =	sshll.u32 s1, $0xD;
	s1 =	sshrl.u32 s1, $0x2  }
0xba: {  	s3 =	sand.u32 $0x4000, s31;
	s1 =	sadd.s32 s1, s30  }
0xbb: {  	s0 =	sor.u32 s3, s0;
	s1 =	sshll.u32 s1, $0x11  }
0xbc: {  	s0 =	sor.u32 s1, s0  }
0xbd: {  	s0 =	sadd.s32 $0x8F2B, s0  }
0xbe: {  	[sflag:s0] =	ssyncadd.remote.s32 $0x1  }
0xbf: {  	_ =	sfence.sel $0xFFFF  }
0xc0: {  	[dreg:$0x0] =	wrdreg $0xFFFFFFFF;
	(pc) =	sbr.abs _section_cstart, $3  }
0xc1: {  	[dreg:$0x1] =	wrdreg $0xFFFFFFFF  }
0xc2: {  	_ =	task.clear_ibuf [dreg:s7], $0x2FFFF;
	_ =	strace $0x9FFFFFFF  }
0xc3: {  	(tm) =	ssettm $0x7FFFFFFF  }
tec
execute0_lowered:
.L_overlay_start_1:
0x0: {  	(tag) =	ssettag $0x1  }
0x1: {  	s5 =	rddreg [dreg:$0x0];
	s1 =	srdreg.scid  }
0x2: {  	s0 =	stileid.u32;
	s9 =	rddreg [dreg:$0x1]  }
0x3: {  	s2 =	rddreg [dreg:$0x2];
	s3 =	simm.s32 $0x0;
	s4 =	smul.u32 $0x4F00, s0  }
0x4: {  	s15 =	simm.s32 $0x1;
	s6 =	sand.u32 $0x1, s1;
	s8 =	smul.u32 $0x2780, s0  }
0x5: {  	s16 =	simm.s32 $0x0;
	s1 =	rddreg [dreg:$0x3];
	s7 =	smul.u32 $0x2780, s6  }
0x6: {  	[smem:$0x7FF] =	sst s3;
	s31 =	sshll.u32 s0, $0x6;
	s29 =	smul.u32 $0x27800, s6  }
0x7: {  	_ =	strace $0x8000004A;
	s6 =	ssub.s32 $0x2, s6;
	s12 =	sshrl.u32 s8, $0x3  }
0x8: {  	s30 =	sshrl.u32 s6, $0x1;
	s14 =	sadd.s32 s8, s2;
	s4 =	sadd.s32 s7, s4  }
0x9: {  	s7 =	sadd.s32 s8, s29;
	s12 =	sadd.s32 s12, s5;
	s13 =	ssub.s32 s6, s30  }
0xa: {  	s6 =	sor.u32 $0x1C02, s31;
	s10 =	sshrl.u32 s4, $0x3;
	s4 =	sadd.s32 $0x10400, s5  }
0xb: {  	s7 =	sshrl.u32 s7, $0x3;
	s8 =	smax.u32 s13, $0x1;
	s13 =	simm.s32 $0x80  }
0xc: {  	s11 =	sadd.s32 s10, s5;
	s7 =	sadd.s32 s7, s5;
	s5 =	sadd.s32 $0xB400, s12  }
0xd: {  	s9 =	sadd.s32 s10, s9;
	s12 =	simm.s32 $0x2;
	s7 =	sadd.s32 $0x15400, s7  }
0xe: {  	s10 =	sadd.s32 $0x1600, s11;
	s11 =	sshrl.u32 s14, $0x3;
	s14 =	simm.s32 $0x100  }
.LBB2_1:
0xf: {  	[spmem:s11], [sflag:s6] =	dma.local [hbm:s5], $0x4F0  }
0x10: {  	_ =	swait.ge [sflag:s12], $0x4F0  }
0x11: {  	[sflag:s12] =	ssyncset.done $0x0  }
0x12: {  	[sflag:s12] =	ssyncadd.s32 $0xFFFFFB10  }
0x13: {  	s17 =	sadd.s32 $0x0, s10;
	[bflag:$0x0] =	sbarrier.arrive $0xFFFF  }
0x14: {  	[tilespmem:s13], [sflag:$0x2] =	stream.linear.gather [hbm4b:s17+s3], $0x80, $0x38;
	[tilespmem:$0x3080] =	vst v63  }
0x15: {  	_ =	swait.ge [sflag:s12], $0x80  }
0x16: {  	[sflag:s12] =	ssyncset.done $0x0  }
0x17: {  	s31 =	sadd.s32 $0x0, s9;
	[sflag:s12] =	ssyncadd.s32 $0xFFFFFF80  }
0x18: {  	[tilespmem:s3], [sflag:$0x2] =	stream.linear.gather [hbm4b:s31+s3], $0x80, $0x38;
	[tilespmem:$0x3080] =	vst v63  }
0x19: {  	_ =	swait.ge [sflag:s12], $0x80  }
0x1a: {  	[sflag:s12] =	ssyncset.done $0x0  }
0x1b: {  	[sflag:s12] =	ssyncadd.s32 $0xFFFFFF80  }
0x1c: {  	[tilespmem:s14], [sflag:$0x1] =	stream.indirect.gather [hbm4b:s4+s13], $0x10, s3, s13, $0xb8;
	[tilespmem:$0x3080] =	vst v63  }
0x1d: {  	_ =	swait.ge [sflag:s15], $0x800  }
0x1e: {  	[sflag:s15] =	ssyncset.done $0x0  }
0x1f: {  	[sflag:s15] =	ssyncadd.s32 $0xFFFFF800  }
0x20: {  	[spmem:s2] =	stream.indirect.scatter.add.f32 [tilespmem:s14], [sflag:$0x2], $0x10, s13, s13, $0xb8;
	[tilespmem:$0x3080] =	vst v63  }
0x21: {  	_ =	swait.ge [sflag:s12], $0x800  }
0x22: {  	s18 =	simm.s32 $0x20;
	s17 =	simm.s32 $0x10;
	[sflag:s12] =	ssyncset.done $0x0  }
.LBB2_2:
0x23: {  	s19 =	sadd.s32 s17, s10  }
0x24: {  	[sflag:s12] =	ssyncadd.s32 $0xFFFFF800;
	s20 =	smov.u32 s18;
	s21 =	sadd.s32 $0x10, s18  }
0x25: {  	[tilespmem:s13], [sflag:$0x2] =	stream.linear.gather [hbm4b:s19+s3], $0x80, $0x38;
	[tilespmem:$0x3080] =	vst v63  }
0x26: {  	p0 =	sne.s32 s18, $0x4E0;
	_ =	swait.ge [sflag:s12], $0x80  }
0x27: {  	[sflag:s12] =	ssyncset.done $0x0  }
0x28: {  	s18 =	sadd.s32 s17, s9;
	s17 =	smov.u32 s20;
	[sflag:s12] =	ssyncadd.s32 $0xFFFFFF80  }
0x29: {  	[tilespmem:s3], [sflag:$0x2] =	stream.linear.gather [hbm4b:s18+s3], $0x80, $0x38;
	[tilespmem:$0x3080] =	vst v63  }
0x2a: {  	_ =	swait.ge [sflag:s12], $0x80  }
0x2b: {  	[sflag:s12] =	ssyncset.done $0x0  }
0x2c: {  	[sflag:s12] =	ssyncadd.s32 $0xFFFFFF80  }
0x2d: {  	[tilespmem:s14], [sflag:$0x1] =	stream.indirect.gather [hbm4b:s4+s13], $0x10, s3, s13, $0xb8;
	[tilespmem:$0x3080] =	vst v63  }
0x2e: {  	_ =	swait.ge [sflag:s15], $0x800  }
.Ltmp0:
0x2f: {  	[sflag:s15] =	ssyncset.done $0x0;
	(pc) =	sbr.rel @p0 .LBB2_2-.Ltmp0, $4  }
0x30: {  	[sflag:s15] =	ssyncadd.s32 $0xFFFFF800  }
0x31: {  	[spmem:s2] =	stream.indirect.scatter.add.f32 [tilespmem:s14], [sflag:$0x2], $0x10, s13, s13, $0xb8;
	[tilespmem:$0x3080] =	vst v63  }
0x32: {  	_ =	swait.ge [sflag:s12], $0x800  }
0x33: {  	s18 =	smov.u32 s21;
	[sflag:s12] =	ssyncset.done $0x0  }
0x34: {  	s18 =	sadd.s32 s17, s10;
	[sflag:s12] =	ssyncadd.s32 $0xFFFFF800  }
0x35: {  	[tilespmem:s13], [sflag:$0x2] =	stream.linear.gather [hbm4b:s18+s3], $0x80, $0x38;
	[tilespmem:$0x3080] =	vst v63  }
0x36: {  	_ =	swait.ge [sflag:s12], $0x80  }
0x37: {  	[sflag:s12] =	ssyncset.done $0x0  }
0x38: {  	s31 =	sadd.s32 s17, s9;
	[sflag:s12] =	ssyncadd.s32 $0xFFFFFF80  }
0x39: {  	[tilespmem:s3], [sflag:$0x2] =	stream.linear.gather [hbm4b:s31+s3], $0x80, $0x38;
	[tilespmem:$0x3080] =	vst v63  }
0x3a: {  	_ =	swait.ge [sflag:s12], $0x80  }
0x3b: {  	[sflag:s12] =	ssyncset.done $0x0  }
0x3c: {  	[sflag:s12] =	ssyncadd.s32 $0xFFFFFF80  }
0x3d: {  	[tilespmem:s14], [sflag:$0x1] =	stream.indirect.gather [hbm4b:s4+s13], $0x10, s3, s13, $0xb8;
	[tilespmem:$0x3080] =	vst v63  }
0x3e: {  	_ =	swait.ge [sflag:s15], $0x800  }
0x3f: {  	[sflag:s15] =	ssyncset.done $0x0  }
0x40: {  	[sflag:s15] =	ssyncadd.s32 $0xFFFFF800  }
0x41: {  	[spmem:s2] =	stream.indirect.scatter.add.f32 [tilespmem:s14], [sflag:$0x2], $0x10, s13, s13, $0xb8;
	[tilespmem:$0x3080] =	vst v63  }
0x42: {  	_ =	swait.ge [sflag:s12], $0x800  }
0x43: {  	s16 =	sadd.s32 $0x1, s16;
	[sflag:s12] =	ssyncset.done $0x0  }
0x44: {  	p0 =	sne.s32 s16, s8;
	[sflag:s12] =	ssyncadd.s32 $0xFFFFF800  }
.Ltmp1:
0x45: {  	[bflag:$0x0] =	sbarrier.arrive $0xFFFF;
	(pc) =	sbr.rel @p0 .LBB2_1-.Ltmp1, $4  }
0x46: {  	[hbm:s7], [sflag:s6] =	dma.local [spmem:s11], $0x4F0  }
0x47: {  	_ =	swait.ge [sflag:s12], $0x4F0  }
0x48: {  	[sflag:s12] =	ssyncset.done $0x0  }
0x49: {  	[sflag:s12] =	ssyncadd.s32 $0xFFFFFB10  }
0x4a: {  	_ =	sfence.sel $0x180000  }
0x4b: {  	[bflag:$0x0] =	sbarrier.arrive $0xFFFF  }
0x4c: {  	p0 =	sne.s32 s0, $0x0;
	_ =	strace $0x9000004A  }
0x4d: {  	s0 =	sadd.s32 @!p0 $0x100000, s1;
	[bflag:$0x2] =	sbarrier.arrive $0xFFFF  }
0x4e: {  	[sflag:s0] =	ssyncadd.tile.s32 @!p0 $0x1;
	_ =	shalt  }
.Lfunc_end2:
_tile_overlayer_lowered:
.L_overlay_start_2:
0x4f: {  	(tag) =	ssettag $0x2  }
0x50: {  	s0 =	rddreg [dreg:$0x0];
	s2 =	stileid.u32  }
0x51: {  	s1 =	rddreg [dreg:$0x1];
	p0 =	sne.s32 s2, $0x0  }
0x52: {  	s3 =	rddreg [dreg:$0x2];
	[bflag:$0x3] =	sbarrier.arrive $0xFFFF;
	s2 =	simm.s32 @!p0 $0x1C02  }
0x53: {  	[timem:s3], [sflag:s2] =	dma.local @!p0 [hbm:s0], s1  }
0x54: {  	s0 =	simm.s32 @!p0 $0x2  }
0x55: {  	_ =	swait.ge @!p0 [sflag:s0], s1  }
0x56: {  	s1 =	ssub.s32 @!p0 $0x0, s1;
	[sflag:s0] =	ssyncset.done @!p0 $0x0  }
0x57: {  	[sflag:s0] =	ssyncadd.s32 @!p0 s1  }
0x58: {  	[bflag:$0x3] =	sbarrier.arrive $0xFFFF  }
0x59: {  	_ =	shalt  }

// kernel: kernel.15.cloned.1.call-start
scs
__scs_entry_jumppad:
0x0: {  	(pc) =	sbr.rel $0x88, $3  }
0x1: {  	(tag) =	ssettag $0x0;
	lr =	simm.s32 $0x1  }
0x2: {  	[smem:$0x3F9B] =	sst lr;
	_ =	strace $0xD0000000  }
0x3: {  	_ = 	snop  }
0x4: {  	_ = 	snop  }
0x5: {  	_ = 	snop  }
0x6: {  	_ = 	snop  }
0x7: {  	_ = 	snop  }
__scs_overlays_trampoline_lowered:
0x8: {  	[smem:$0x3FAA] =	sst s0  }
0x9: {  	[smem:$0x3FAB] =	sst s1  }
0xa: {  	[smem:$0x3FAC] =	sst s2  }
0xb: {  	[smem:$0x3FAD] =	sst s3  }
0xc: {  	[smem:$0x3FAE] =	sst s4  }
0xd: {  	[smem:$0x3FAF] =	sst s5  }
0xe: {  	[smem:$0x3FB0] =	sst s6  }
0xf: {  	[smem:$0x3FB1] =	sst s7  }
0x10: {  	[smem:$0x3FB2] =	sst s8  }
0x11: {  	[smem:$0x3FB3] =	sst s9;
	s0 =	simm.s32 @!p0 $0x0  }
0x12: {  	s1 =	sld [smem:$0x3F99];
	s0 =	simm.s32 @p0 $0x1  }
0x13: {  	[smem:$0x3FB4] =	sst s0;
	s0 =	simm.s32 @!p1 $0x0  }
0x14: {  	s2 =	sld [smem:$0x3F98];
	s0 =	simm.s32 @p1 $0x1  }
0x15: {  	[smem:$0x3FB5] =	sst s0;
	s0 =	simm.s32 @!p2 $0x0  }
0x16: {  	s3 =	sld [smem:$0x3FDB];
	s0 =	simm.s32 @p2 $0x1  }
0x17: {  	s4 =	simm.s32 $0x1BF5;
	[smem:$0x3FB7] =	sst s0  }
0x18: {  	s0 =	sld [smem:$0x3F9A];
	_ =	swait.ge [sflag:s4], $0x0  }
0x19: {  	s7 =	sld [smem:$0x3F9B]  }
0x1a: {  	s8 =	sadd.s32 $0xFFFFE003, lr  }
0x1b: {  	s9 =	sadd.s32 $0xFFFFFEF7, lr;
	s5 =	simm.s32 $0xFFFFFFFF;
	p2 =	slt.u32 s8, $0xFFFFF086  }
0x1c: {  	p1 =	slt.u32 s9, $0xF7A;
	s5 =	simm.s32 @!p2 $0x0  }
0x1d: {  	s5 =	simm.s32 @p1 $0x1;
	p0 =	seq.s32 s7, s2  }
0x1e: {  	s7 =	smul.u32 @!p0 $0xF7A, s2;
	p2 =	seq.s32 @!p0 s5, $0x0  }
0x1f: {  	s9 =	smul.u32 $0xF7A, s1;
	s8 =	simm.s32 @!p0 $0x1BF5;
	p2 =	por !p2, p0  }
0x20: {  	[sflag:s8] =	ssyncset.s32 @!p0 $0xFFFFF086;
	s6 =	sadd.s32 @!p0 s3, s7;
	s7 =	simm.s32 @!p0 $0x108  }
0x21: {  	s3 =	sadd.s32 s3, s9;
	s6 =	sadd.s32 @!p0 $0x88, s6;
	s7 =	simm.s32 @p2 $0x1082  }
0x22: {  	[simem:s7], [sflag:s8] =	dma.local @!p0 [hbm:s6], $0xF7A  }
0x23: {  	s9 =	sor.u32 $0xD0000000, s2;
	s6 =	simm.s32 $0x108;
	_ =	swait.ge @!p0 [sflag:s8], $0x0  }
0x24: {  	s3 =	sadd.s32 $0x88, s3;
	s6 =	simm.s32 @!p1 $0x1082;
	[sflag:s4] =	ssyncset.s32 $0xFFFFF086  }
0x25: {  	[simem:s6], [sflag:s4] =	dma.local [hbm:s3], $0xF7A  }
0x26: {  	[smem:$0x3F9B] =	sst s1;
	(tag) =	ssettag s2;
	_ =	strace s9  }
0x27: {  	s1 =	sld [smem:$0x3FAB]  }
0x28: {  	s2 =	sld [smem:$0x3FAC]  }
0x29: {  	s4 =	sld [smem:$0x3FAE]  }
0x2a: {  	p0 =	seq.s32 s5, $0x0;
	s5 =	sld [smem:$0x3FAF]  }
0x2b: {  	s6 =	sld [smem:$0x3FB0]  }
0x2c: {  	s7 =	sld [smem:$0x3FB1]  }
0x2d: {  	s3 =	simm.s32 $0x108;
	s8 =	sld [smem:$0x3FB2]  }
0x2e: {  	s3 =	simm.s32 @!p0 $0x1082;
	s9 =	sld [smem:$0x3FB3]  }
0x2f: {  	lr =	sadd.s32 s0, s3;
	s0 =	sld [smem:$0x3FAA]  }
0x30: {  	s3 =	sld [smem:$0x3FAD]  }
0x31: {  	[smem:$0x3FB6] =	sst s10  }
0x32: {  	s10 =	sld [smem:$0x3FB4];
	_ =	sdelay $0x3  }
0x33: {  	p0 =	seq.s32 s10, $0x1;
	s10 =	sld [smem:$0x3FB6];
	_ =	sdelay $0x3  }
0x34: {  	[smem:$0x3FB6] =	sst s10  }
0x35: {  	s10 =	sld [smem:$0x3FB5];
	_ =	sdelay $0x3  }
0x36: {  	p1 =	seq.s32 s10, $0x1;
	s10 =	sld [smem:$0x3FB6];
	_ =	sdelay $0x3  }
0x37: {  	[smem:$0x3FB6] =	sst s10  }
0x38: {  	s10 =	sld [smem:$0x3FB7]  }
0x39: {  	_ = 	snop;
	(pc) =	sbr.ind lr, $3  }
0x3a: {  	_ = 	snop  }
0x3b: {  	_ = 	snop  }
0x3c: {  	p2 =	seq.s32 s10, $0x1;
	s10 =	sld [smem:$0x3FB6]  }
0x3d: {  	_ =	shalt  }
0x3e: {  	_ =	shalt  }
0x3f: {  	_ =	shalt  }
0x40: {  	_ =	shalt  }
0x41: {  	_ =	shalt  }
0x42: {  	_ =	shalt  }
0x43: {  	_ =	shalt  }
0x44: {  	_ =	shalt  }
0x45: {  	_ =	shalt  }
0x46: {  	_ =	shalt  }
0x47: {  	_ =	shalt  }
0x48: {  	_ =	shalt  }
0x49: {  	_ =	shalt  }
0x4a: {  	_ =	shalt  }
0x4b: {  	_ =	shalt  }
0x4c: {  	_ =	shalt  }
0x4d: {  	_ =	shalt  }
0x4e: {  	_ =	shalt  }
0x4f: {  	_ =	shalt  }
0x50: {  	_ =	shalt  }
0x51: {  	_ =	shalt  }
0x52: {  	_ =	shalt  }
0x53: {  	_ =	shalt  }
0x54: {  	_ =	shalt  }
0x55: {  	_ =	shalt  }
0x56: {  	_ =	shalt  }
0x57: {  	_ =	shalt  }
0x58: {  	_ =	shalt  }
0x59: {  	_ =	shalt  }
0x5a: {  	_ =	shalt  }
0x5b: {  	_ =	shalt  }
0x5c: {  	_ =	shalt  }
0x5d: {  	_ =	shalt  }
0x5e: {  	_ =	shalt  }
0x5f: {  	_ =	shalt  }
0x60: {  	_ =	shalt  }
0x61: {  	_ =	shalt  }
0x62: {  	_ =	shalt  }
0x63: {  	_ =	shalt  }
0x64: {  	_ =	shalt  }
0x65: {  	_ =	shalt  }
0x66: {  	_ =	shalt  }
0x67: {  	_ =	shalt  }
0x68: {  	_ =	shalt  }
0x69: {  	_ =	shalt  }
0x6a: {  	_ =	shalt  }
0x6b: {  	_ =	shalt  }
0x6c: {  	_ =	shalt  }
0x6d: {  	_ =	shalt  }
0x6e: {  	_ =	shalt  }
0x6f: {  	_ =	shalt  }
0x70: {  	_ =	shalt  }
0x71: {  	_ =	shalt  }
0x72: {  	_ =	shalt  }
0x73: {  	_ =	shalt  }
0x74: {  	_ =	shalt  }
0x75: {  	_ =	shalt  }
0x76: {  	_ =	shalt  }
0x77: {  	_ =	shalt  }
0x78: {  	_ =	shalt  }
0x79: {  	_ =	shalt  }
0x7a: {  	_ =	shalt  }
0x7b: {  	_ =	shalt  }
0x7c: {  	_ =	shalt  }
0x7d: {  	_ =	shalt  }
0x7e: {  	_ =	shalt  }
0x7f: {  	_ =	shalt  }
0x80: {  	_ =	shalt  }
0x81: {  	_ =	shalt  }
0x82: {  	_ =	shalt  }
0x83: {  	_ =	shalt  }
0x84: {  	_ =	shalt  }
0x85: {  	_ =	shalt  }
0x86: {  	_ =	shalt  }
0x87: {  	_ =	shalt  }
.Lfunc_end0:
.L_simem_size_0:
called_computation.2_lowered:
.L_overlay_start_0:
0x88: {  	s2 =	sld [smem:$0x3FD9]  }
0x89: {  	s3 =	sld [smem:$0x3FFE];
	_ =	sdelay $0x1  }
0x8a: {  	s1 =	srdreg.scid  }
0x8b: {  	s0 =	sand.u32 $0x1, s1  }
0x8c: {  	s17 =	sshll.u32 s0, $0xA;
	s2 =	sadd.s32 s3, s2  }
0x8d: {  	s2 =	sadd.s32 s2, s17  }
0x8e: {  	[smem:$0x3FC2] =	sst s2  }
0x8f: {  	_ = 	snop  }
0x90: {  	s2 =	sld [smem:$0x3FD0];
	(tm) =	ssettm $0x1  }
0x91: {  	s18 =	sld [smem:$0x3FFB];
	_ =	sdelay $0x3  }
0x92: {  	_ =	strace s18  }
0x93: {  	s3 =	sld [smem:$0x3FFC];
	_ =	sdelay $0x3  }
0x94: {  	_ =	strace s3  }
0x95: {  	s3 =	sld [smem:$0x3FFD];
	_ =	sdelay $0x3  }
0x96: {  	_ =	strace s3  }
0x97: {  	_ =	strace $0x8FFFFFFF  }
0x98: {  	s19 =	sld [smem:$0x3FDB];
	_ =	sdelay $0x1  }
0x99: {  	s4 =	simm.s32 $_scs_section_size  }
0x9a: {  	s5 =	simm.s32 $_size__tile_overlayer_lowered;
	s6 =	simm.s32 $_tile_overlayer_lowered  }
0x9b: {  	s22 =	simm.s32 $0x1BFF;
	s21 =	sshll.u32 s6, $0x1;
	s3 =	sadd.s32 s4, s19  }
0x9c: {  	s7 =	simm.s32 $0x0;
	s20 =	sshll.u32 s5, $0x1;
	s5 =	sadd.s32 s21, s3  }
0x9d: {  	[timem:s7], [sflag:s22] =	dma.local [hbm:s5], s20  }
0x9e: {  	_ =	swait.ge [sflag:s22], s20  }
0x9f: {  	s4 =	ssub.s32 $0x0, s20;
	[sflag:s22] =	ssyncset.done $0x0  }
0xa0: {  	[sflag:s22] =	ssyncadd.s32 s4;
	_ =	sdelay $0x1  }
0xa1: {  	s23 =	simm.s32 $0x1B8B  }
0xa2: {  	_ =	swait.ge [sflag:s23], $0x1  }
0xa3: {  	[sflag:s23] =	ssyncset.done $0x0  }
0xa4: {  	s25 =	simm.s32 $0x1B8E;
	s24 =	sld [smem:$0x3FFE];
	[sflag:s23] =	ssyncadd.s32 $0xFFFFFFFF  }
0xa5: {  	s26 =	simm.s32 $execute0_lowered;
	[smem:$0x3FD2] =	sst s25  }
0xa6: {  	s5 =	sshll.u32 s26, $0x1;
	_ =	strace $0x8000004C;
	[dreg:$0x1] =	wrdreg $0xFFFFFFFF  }
0xa7: {  	s28 =	simm.s32 $_size_execute0_lowered;
	s3 =	sadd.s32 s3, s5;
	[dreg:$0x0] =	wrdreg $0x0  }
0xa8: {  	s5 =	sshll.u32 s28, $0x1;
	[dreg:$0x2] =	wrdreg s3  }
0xa9: {  	[dreg:$0x3] =	wrdreg s5  }
0xaa: {  	[dreg:$0x4] =	wrdreg $0xC0  }
0xab: {  	_ =	task [dreg:s7], $0x5FFFF  }
0xac: {  	[dreg:$0x1] =	wrdreg $0xFFFFFFFF  }
0xad: {  	[dreg:$0x0] =	wrdreg $0x60  }
0xae: {  	[dreg:$0x2] =	wrdreg s24  }
0xaf: {  	[dreg:$0x3] =	wrdreg s2  }
0xb0: {  	[dreg:$0x4] =	wrdreg $0x19000  }
0xb1: {  	[dreg:$0x5] =	wrdreg $0x9  }
0xb2: {  	_ =	task.clear_ibuf [dreg:s7], $0x6FFFF;
	_ =	strace $0x9000004C  }
0xb3: {  	s29 =	simm.s32 $0x9;
	_ =	strace $0x8000004E  }
0xb4: {  	_ =	swait.ge [sflag:s29], $0x1  }
0xb5: {  	[sflag:s29] =	ssyncadd.s32 $0xFFFFFFFF  }
0xb6: {  	_ =	strace $0x9000004E  }
0xb7: {  	_ =	sfence  }
0xb8: {  	s30 =	sld [smem:$0x0];
	_ =	sdelay $0x2  }
0xb9: {  	s31 =	sshll.u32 s1, $0xD;
	s1 =	sshrl.u32 s1, $0x2  }
0xba: {  	s3 =	sand.u32 $0x4000, s31;
	s1 =	sadd.s32 s1, s30  }
0xbb: {  	s0 =	sor.u32 s3, s0;
	s1 =	sshll.u32 s1, $0x11  }
0xbc: {  	s0 =	sor.u32 s1, s0  }
0xbd: {  	s0 =	sadd.s32 $0x8F2B, s0  }
0xbe: {  	[sflag:s0] =	ssyncadd.remote.s32 $0x1  }
0xbf: {  	_ =	sfence.sel $0xFFFF  }
0xc0: {  	[dreg:$0x0] =	wrdreg $0xFFFFFFFF;
	(pc) =	sbr.abs _section_cstart, $3  }
0xc1: {  	[dreg:$0x1] =	wrdreg $0xFFFFFFFF  }
0xc2: {  	_ =	task.clear_ibuf [dreg:s7], $0x2FFFF;
	_ =	strace $0x9FFFFFFF  }
0xc3: {  	(tm) =	ssettm $0x7FFFFFFF  }
tec
execute0_lowered:
.L_overlay_start_1:
0x0: {  	(tag) =	ssettag $0x1  }
0x1: {  	s5 =	rddreg [dreg:$0x0];
	s1 =	srdreg.scid  }
0x2: {  	s0 =	stileid.u32;
	s9 =	rddreg [dreg:$0x1]  }
0x3: {  	s2 =	rddreg [dreg:$0x2];
	s3 =	simm.s32 $0x0;
	s4 =	smul.u32 $0x4F00, s0  }
0x4: {  	s15 =	simm.s32 $0x1;
	s6 =	sand.u32 $0x1, s1;
	s8 =	smul.u32 $0x7680, s0  }
0x5: {  	s16 =	simm.s32 $0x0;
	s1 =	rddreg [dreg:$0x3];
	s7 =	smul.u32 $0x2780, s6  }
0x6: {  	[smem:$0x7FF] =	sst s3;
	s31 =	sshll.u32 s0, $0x6;
	s29 =	smul.u32 $0x76800, s6  }
0x7: {  	_ =	strace $0x8000004D;
	s6 =	ssub.s32 $0x2, s6;
	s12 =	sshrl.u32 s8, $0x3  }
0x8: {  	s30 =	sshrl.u32 s6, $0x1;
	s14 =	sadd.s32 s8, s2;
	s4 =	sadd.s32 s7, s4  }
0x9: {  	s7 =	sadd.s32 s8, s29;
	s12 =	sadd.s32 s12, s5;
	s13 =	ssub.s32 s6, s30  }
0xa: {  	s6 =	sor.u32 $0x1C02, s31;
	s10 =	sshrl.u32 s4, $0x3;
	s4 =	sadd.s32 $0xB400, s5  }
0xb: {  	s7 =	sshrl.u32 s7, $0x3;
	s8 =	smax.u32 s13, $0x1;
	s13 =	simm.s32 $0x80  }
0xc: {  	s11 =	sadd.s32 s10, s5;
	s7 =	sadd.s32 s7, s5;
	s5 =	sadd.s32 $0x1A000, s12  }
0xd: {  	s9 =	sadd.s32 s10, s9;
	s12 =	simm.s32 $0x2;
	s7 =	sadd.s32 $0x28E00, s7  }
0xe: {  	s10 =	sadd.s32 $0x1600, s11;
	s11 =	sshrl.u32 s14, $0x3;
	s14 =	simm.s32 $0x100  }
.LBB2_1:
0xf: {  	[spmem:s11], [sflag:s6] =	dma.local [hbm:s5], $0xED0  }
0x10: {  	_ =	swait.ge [sflag:s12], $0xED0  }
0x11: {  	[sflag:s12] =	ssyncset.done $0x0  }
0x12: {  	[sflag:s12] =	ssyncadd.s32 $0xFFFFF130  }
0x13: {  	s17 =	sadd.s32 $0x0, s10;
	[bflag:$0x0] =	sbarrier.arrive $0xFFFF  }
0x14: {  	[tilespmem:s13], [sflag:$0x2] =	stream.linear.gather [hbm4b:s17+s3], $0x80, $0x38;
	[tilespmem:$0x8F80] =	vst v63  }
0x15: {  	_ =	swait.ge [sflag:s12], $0x80  }
0x16: {  	[sflag:s12] =	ssyncset.done $0x0  }
0x17: {  	s31 =	sadd.s32 $0x0, s9;
	[sflag:s12] =	ssyncadd.s32 $0xFFFFFF80  }
0x18: {  	[tilespmem:s3], [sflag:$0x2] =	stream.linear.gather [hbm4b:s31+s3], $0x80, $0x38;
	[tilespmem:$0x8F80] =	vst v63  }
0x19: {  	_ =	swait.ge [sflag:s12], $0x80  }
0x1a: {  	[sflag:s12] =	ssyncset.done $0x0  }
0x1b: {  	[sflag:s12] =	ssyncadd.s32 $0xFFFFFF80  }
0x1c: {  	[tilespmem:s14], [sflag:$0x1] =	stream.indirect.gather [hbm4b:s4+s13], $0x30, s3, s13, $0xb8;
	[tilespmem:$0x8F80] =	vst v63  }
0x1d: {  	_ =	swait.ge [sflag:s15], $0x1800  }
0x1e: {  	[sflag:s15] =	ssyncset.done $0x0  }
0x1f: {  	[sflag:s15] =	ssyncadd.s32 $0xFFFFE800  }
0x20: {  	[spmem:s2] =	stream.indirect.scatter.add.f32 [tilespmem:s14], [sflag:$0x2], $0x30, s13, s13, $0xb8;
	[tilespmem:$0x8F80] =	vst v63  }
0x21: {  	_ =	swait.ge [sflag:s12], $0x1800  }
0x22: {  	s18 =	simm.s32 $0x20;
	s17 =	simm.s32 $0x10;
	[sflag:s12] =	ssyncset.done $0x0  }
.LBB2_2:
0x23: {  	s19 =	sadd.s32 s17, s10  }
0x24: {  	[sflag:s12] =	ssyncadd.s32 $0xFFFFE800;
	s20 =	smov.u32 s18;
	s21 =	sadd.s32 $0x10, s18  }
0x25: {  	[tilespmem:s13], [sflag:$0x2] =	stream.linear.gather [hbm4b:s19+s3], $0x80, $0x38;
	[tilespmem:$0x8F80] =	vst v63  }
0x26: {  	p0 =	sne.s32 s18, $0x4E0;
	_ =	swait.ge [sflag:s12], $0x80  }
0x27: {  	[sflag:s12] =	ssyncset.done $0x0  }
0x28: {  	s18 =	sadd.s32 s17, s9;
	s17 =	smov.u32 s20;
	[sflag:s12] =	ssyncadd.s32 $0xFFFFFF80  }
0x29: {  	[tilespmem:s3], [sflag:$0x2] =	stream.linear.gather [hbm4b:s18+s3], $0x80, $0x38;
	[tilespmem:$0x8F80] =	vst v63  }
0x2a: {  	_ =	swait.ge [sflag:s12], $0x80  }
0x2b: {  	[sflag:s12] =	ssyncset.done $0x0  }
0x2c: {  	[sflag:s12] =	ssyncadd.s32 $0xFFFFFF80  }
0x2d: {  	[tilespmem:s14], [sflag:$0x1] =	stream.indirect.gather [hbm4b:s4+s13], $0x30, s3, s13, $0xb8;
	[tilespmem:$0x8F80] =	vst v63  }
0x2e: {  	_ =	swait.ge [sflag:s15], $0x1800  }
.Ltmp0:
0x2f: {  	[sflag:s15] =	ssyncset.done $0x0;
	(pc) =	sbr.rel @p0 .LBB2_2-.Ltmp0, $4  }
0x30: {  	[sflag:s15] =	ssyncadd.s32 $0xFFFFE800  }
0x31: {  	[spmem:s2] =	stream.indirect.scatter.add.f32 [tilespmem:s14], [sflag:$0x2], $0x30, s13, s13, $0xb8;
	[tilespmem:$0x8F80] =	vst v63  }
0x32: {  	_ =	swait.ge [sflag:s12], $0x1800  }
0x33: {  	s18 =	smov.u32 s21;
	[sflag:s12] =	ssyncset.done $0x0  }
0x34: {  	s18 =	sadd.s32 s17, s10;
	[sflag:s12] =	ssyncadd.s32 $0xFFFFE800  }
0x35: {  	[tilespmem:s13], [sflag:$0x2] =	stream.linear.gather [hbm4b:s18+s3], $0x80, $0x38;
	[tilespmem:$0x8F80] =	vst v63  }
0x36: {  	_ =	swait.ge [sflag:s12], $0x80  }
0x37: {  	[sflag:s12] =	ssyncset.done $0x0  }
0x38: {  	s31 =	sadd.s32 s17, s9;
	[sflag:s12] =	ssyncadd.s32 $0xFFFFFF80  }
0x39: {  	[tilespmem:s3], [sflag:$0x2] =	stream.linear.gather [hbm4b:s31+s3], $0x80, $0x38;
	[tilespmem:$0x8F80] =	vst v63  }
0x3a: {  	_ =	swait.ge [sflag:s12], $0x80  }
0x3b: {  	[sflag:s12] =	ssyncset.done $0x0  }
0x3c: {  	[sflag:s12] =	ssyncadd.s32 $0xFFFFFF80  }
0x3d: {  	[tilespmem:s14], [sflag:$0x1] =	stream.indirect.gather [hbm4b:s4+s13], $0x30, s3, s13, $0xb8;
	[tilespmem:$0x8F80] =	vst v63  }
0x3e: {  	_ =	swait.ge [sflag:s15], $0x1800  }
0x3f: {  	[sflag:s15] =	ssyncset.done $0x0  }
0x40: {  	[sflag:s15] =	ssyncadd.s32 $0xFFFFE800  }
0x41: {  	[spmem:s2] =	stream.indirect.scatter.add.f32 [tilespmem:s14], [sflag:$0x2], $0x30, s13, s13, $0xb8;
	[tilespmem:$0x8F80] =	vst v63  }
0x42: {  	_ =	swait.ge [sflag:s12], $0x1800  }
0x43: {  	s16 =	sadd.s32 $0x1, s16;
	[sflag:s12] =	ssyncset.done $0x0  }
0x44: {  	p0 =	sne.s32 s16, s8;
	[sflag:s12] =	ssyncadd.s32 $0xFFFFE800  }
.Ltmp1:
0x45: {  	[bflag:$0x0] =	sbarrier.arrive $0xFFFF;
	(pc) =	sbr.rel @p0 .LBB2_1-.Ltmp1, $4  }
0x46: {  	[hbm:s7], [sflag:s6] =	dma.local [spmem:s11], $0xED0  }
0x47: {  	_ =	swait.ge [sflag:s12], $0xED0  }
0x48: {  	[sflag:s12] =	ssyncset.done $0x0  }
0x49: {  	[sflag:s12] =	ssyncadd.s32 $0xFFFFF130  }
0x4a: {  	_ =	sfence.sel $0x180000  }
0x4b: {  	[bflag:$0x0] =	sbarrier.arrive $0xFFFF  }
0x4c: {  	p0 =	sne.s32 s0, $0x0;
	_ =	strace $0x9000004D  }
0x4d: {  	s0 =	sadd.s32 @!p0 $0x100000, s1;
	[bflag:$0x2] =	sbarrier.arrive $0xFFFF  }
0x4e: {  	[sflag:s0] =	ssyncadd.tile.s32 @!p0 $0x1;
	_ =	shalt  }
.Lfunc_end2:
_tile_overlayer_lowered:
.L_overlay_start_2:
0x4f: {  	(tag) =	ssettag $0x2  }
0x50: {  	s0 =	rddreg [dreg:$0x0];
	s2 =	stileid.u32  }
0x51: {  	s1 =	rddreg [dreg:$0x1];
	p0 =	sne.s32 s2, $0x0  }
0x52: {  	s3 =	rddreg [dreg:$0x2];
	[bflag:$0x3] =	sbarrier.arrive $0xFFFF;
	s2 =	simm.s32 @!p0 $0x1C02  }
0x53: {  	[timem:s3], [sflag:s2] =	dma.local @!p0 [hbm:s0], s1  }
0x54: {  	s0 =	simm.s32 @!p0 $0x2  }
0x55: {  	_ =	swait.ge @!p0 [sflag:s0], s1  }
0x56: {  	s1 =	ssub.s32 @!p0 $0x0, s1;
	[sflag:s0] =	ssyncset.done @!p0 $0x0  }
0x57: {  	[sflag:s0] =	ssyncadd.s32 @!p0 s1  }
0x58: {  	[bflag:$0x3] =	sbarrier.arrive $0xFFFF  }
0x59: {  	_ =	shalt  }

// kernel: kernel.9.cloned.1.call-start
scs
__scs_entry_jumppad:
0x0: {  	(pc) =	sbr.rel $0x88, $3  }
0x1: {  	(tag) =	ssettag $0x0;
	lr =	simm.s32 $0x1  }
0x2: {  	[smem:$0x3F9B] =	sst lr;
	_ =	strace $0xD0000000  }
0x3: {  	_ = 	snop  }
0x4: {  	_ = 	snop  }
0x5: {  	_ = 	snop  }
0x6: {  	_ = 	snop  }
0x7: {  	_ = 	snop  }
__scs_overlays_trampoline_lowered:
0x8: {  	[smem:$0x3FAA] =	sst s0  }
0x9: {  	[smem:$0x3FAB] =	sst s1  }
0xa: {  	[smem:$0x3FAC] =	sst s2  }
0xb: {  	[smem:$0x3FAD] =	sst s3  }
0xc: {  	[smem:$0x3FAE] =	sst s4  }
0xd: {  	[smem:$0x3FAF] =	sst s5  }
0xe: {  	[smem:$0x3FB0] =	sst s6  }
0xf: {  	[smem:$0x3FB1] =	sst s7  }
0x10: {  	[smem:$0x3FB2] =	sst s8  }
0x11: {  	[smem:$0x3FB3] =	sst s9;
	s0 =	simm.s32 @!p0 $0x0  }
0x12: {  	s1 =	sld [smem:$0x3F99];
	s0 =	simm.s32 @p0 $0x1  }
0x13: {  	[smem:$0x3FB4] =	sst s0;
	s0 =	simm.s32 @!p1 $0x0  }
0x14: {  	s2 =	sld [smem:$0x3F98];
	s0 =	simm.s32 @p1 $0x1  }
0x15: {  	[smem:$0x3FB5] =	sst s0;
	s0 =	simm.s32 @!p2 $0x0  }
0x16: {  	s3 =	sld [smem:$0x3FDB];
	s0 =	simm.s32 @p2 $0x1  }
0x17: {  	s4 =	simm.s32 $0x1BF5;
	[smem:$0x3FB7] =	sst s0  }
0x18: {  	s0 =	sld [smem:$0x3F9A];
	_ =	swait.ge [sflag:s4], $0x0  }
0x19: {  	s7 =	sld [smem:$0x3F9B]  }
0x1a: {  	s8 =	sadd.s32 $0xFFFFE003, lr  }
0x1b: {  	s9 =	sadd.s32 $0xFFFFFEF7, lr;
	s5 =	simm.s32 $0xFFFFFFFF;
	p2 =	slt.u32 s8, $0xFFFFF086  }
0x1c: {  	p1 =	slt.u32 s9, $0xF7A;
	s5 =	simm.s32 @!p2 $0x0  }
0x1d: {  	s5 =	simm.s32 @p1 $0x1;
	p0 =	seq.s32 s7, s2  }
0x1e: {  	s7 =	smul.u32 @!p0 $0xF7A, s2;
	p2 =	seq.s32 @!p0 s5, $0x0  }
0x1f: {  	s9 =	smul.u32 $0xF7A, s1;
	s8 =	simm.s32 @!p0 $0x1BF5;
	p2 =	por !p2, p0  }
0x20: {  	[sflag:s8] =	ssyncset.s32 @!p0 $0xFFFFF086;
	s6 =	sadd.s32 @!p0 s3, s7;
	s7 =	simm.s32 @!p0 $0x108  }
0x21: {  	s3 =	sadd.s32 s3, s9;
	s6 =	sadd.s32 @!p0 $0x88, s6;
	s7 =	simm.s32 @p2 $0x1082  }
0x22: {  	[simem:s7], [sflag:s8] =	dma.local @!p0 [hbm:s6], $0xF7A  }
0x23: {  	s9 =	sor.u32 $0xD0000000, s2;
	s6 =	simm.s32 $0x108;
	_ =	swait.ge @!p0 [sflag:s8], $0x0  }
0x24: {  	s3 =	sadd.s32 $0x88, s3;
	s6 =	simm.s32 @!p1 $0x1082;
	[sflag:s4] =	ssyncset.s32 $0xFFFFF086  }
0x25: {  	[simem:s6], [sflag:s4] =	dma.local [hbm:s3], $0xF7A  }
0x26: {  	[smem:$0x3F9B] =	sst s1;
	(tag) =	ssettag s2;
	_ =	strace s9  }
0x27: {  	s1 =	sld [smem:$0x3FAB]  }
0x28: {  	s2 =	sld [smem:$0x3FAC]  }
0x29: {  	s4 =	sld [smem:$0x3FAE]  }
0x2a: {  	p0 =	seq.s32 s5, $0x0;
	s5 =	sld [smem:$0x3FAF]  }
0x2b: {  	s6 =	sld [smem:$0x3FB0]  }
0x2c: {  	s7 =	sld [smem:$0x3FB1]  }
0x2d: {  	s3 =	simm.s32 $0x108;
	s8 =	sld [smem:$0x3FB2]  }
0x2e: {  	s3 =	simm.s32 @!p0 $0x1082;
	s9 =	sld [smem:$0x3FB3]  }
0x2f: {  	lr =	sadd.s32 s0, s3;
	s0 =	sld [smem:$0x3FAA]  }
0x30: {  	s3 =	sld [smem:$0x3FAD]  }
0x31: {  	[smem:$0x3FB6] =	sst s10  }
0x32: {  	s10 =	sld [smem:$0x3FB4];
	_ =	sdelay $0x3  }
0x33: {  	p0 =	seq.s32 s10, $0x1;
	s10 =	sld [smem:$0x3FB6];
	_ =	sdelay $0x3  }
0x34: {  	[smem:$0x3FB6] =	sst s10  }
0x35: {  	s10 =	sld [smem:$0x3FB5];
	_ =	sdelay $0x3  }
0x36: {  	p1 =	seq.s32 s10, $0x1;
	s10 =	sld [smem:$0x3FB6];
	_ =	sdelay $0x3  }
0x37: {  	[smem:$0x3FB6] =	sst s10  }
0x38: {  	s10 =	sld [smem:$0x3FB7]  }
0x39: {  	_ = 	snop;
	(pc) =	sbr.ind lr, $3  }
0x3a: {  	_ = 	snop  }
0x3b: {  	_ = 	snop  }
0x3c: {  	p2 =	seq.s32 s10, $0x1;
	s10 =	sld [smem:$0x3FB6]  }
0x3d: {  	_ =	shalt  }
0x3e: {  	_ =	shalt  }
0x3f: {  	_ =	shalt  }
0x40: {  	_ =	shalt  }
0x41: {  	_ =	shalt  }
0x42: {  	_ =	shalt  }
0x43: {  	_ =	shalt  }
0x44: {  	_ =	shalt  }
0x45: {  	_ =	shalt  }
0x46: {  	_ =	shalt  }
0x47: {  	_ =	shalt  }
0x48: {  	_ =	shalt  }
0x49: {  	_ =	shalt  }
0x4a: {  	_ =	shalt  }
0x4b: {  	_ =	shalt  }
0x4c: {  	_ =	shalt  }
0x4d: {  	_ =	shalt  }
0x4e: {  	_ =	shalt  }
0x4f: {  	_ =	shalt  }
0x50: {  	_ =	shalt  }
0x51: {  	_ =	shalt  }
0x52: {  	_ =	shalt  }
0x53: {  	_ =	shalt  }
0x54: {  	_ =	shalt  }
0x55: {  	_ =	shalt  }
0x56: {  	_ =	shalt  }
0x57: {  	_ =	shalt  }
0x58: {  	_ =	shalt  }
0x59: {  	_ =	shalt  }
0x5a: {  	_ =	shalt  }
0x5b: {  	_ =	shalt  }
0x5c: {  	_ =	shalt  }
0x5d: {  	_ =	shalt  }
0x5e: {  	_ =	shalt  }
0x5f: {  	_ =	shalt  }
0x60: {  	_ =	shalt  }
0x61: {  	_ =	shalt  }
0x62: {  	_ =	shalt  }
0x63: {  	_ =	shalt  }
0x64: {  	_ =	shalt  }
0x65: {  	_ =	shalt  }
0x66: {  	_ =	shalt  }
0x67: {  	_ =	shalt  }
0x68: {  	_ =	shalt  }
0x69: {  	_ =	shalt  }
0x6a: {  	_ =	shalt  }
0x6b: {  	_ =	shalt  }
0x6c: {  	_ =	shalt  }
0x6d: {  	_ =	shalt  }
0x6e: {  	_ =	shalt  }
0x6f: {  	_ =	shalt  }
0x70: {  	_ =	shalt  }
0x71: {  	_ =	shalt  }
0x72: {  	_ =	shalt  }
0x73: {  	_ =	shalt  }
0x74: {  	_ =	shalt  }
0x75: {  	_ =	shalt  }
0x76: {  	_ =	shalt  }
0x77: {  	_ =	shalt  }
0x78: {  	_ =	shalt  }
0x79: {  	_ =	shalt  }
0x7a: {  	_ =	shalt  }
0x7b: {  	_ =	shalt  }
0x7c: {  	_ =	shalt  }
0x7d: {  	_ =	shalt  }
0x7e: {  	_ =	shalt  }
0x7f: {  	_ =	shalt  }
0x80: {  	_ =	shalt  }
0x81: {  	_ =	shalt  }
0x82: {  	_ =	shalt  }
0x83: {  	_ =	shalt  }
0x84: {  	_ =	shalt  }
0x85: {  	_ =	shalt  }
0x86: {  	_ =	shalt  }
0x87: {  	_ =	shalt  }
.Lfunc_end0:
.L_simem_size_0:
called_computation_lowered:
.L_overlay_start_0:
0x88: {  	s2 =	sld [smem:$0x3FD9]  }
0x89: {  	s3 =	sld [smem:$0x3FFE];
	_ =	sdelay $0x1  }
0x8a: {  	s1 =	srdreg.scid  }
0x8b: {  	s0 =	sand.u32 $0x1, s1  }
0x8c: {  	s16 =	sshll.u32 s0, $0xA;
	s2 =	sadd.s32 s3, s2  }
0x8d: {  	s2 =	sadd.s32 s2, s16  }
0x8e: {  	[smem:$0x3FC2] =	sst s2  }
0x8f: {  	_ = 	snop  }
0x90: {  	(tm) =	ssettm $0x1  }
0x91: {  	s17 =	sld [smem:$0x3FFB];
	_ =	sdelay $0x3  }
0x92: {  	_ =	strace s17  }
0x93: {  	s2 =	sld [smem:$0x3FFC];
	_ =	sdelay $0x3  }
0x94: {  	_ =	strace s2  }
0x95: {  	s2 =	sld [smem:$0x3FFD];
	_ =	sdelay $0x3  }
0x96: {  	_ =	strace s2  }
0x97: {  	_ =	strace $0x8FFFFFFF  }
0x98: {  	s18 =	sld [smem:$0x3FDB];
	_ =	sdelay $0x1  }
0x99: {  	s19 =	simm.s32 $_scs_section_size  }
0x9a: {  	s4 =	simm.s32 $_size__tile_overlayer_lowered;
	s5 =	simm.s32 $_tile_overlayer_lowered  }
0x9b: {  	s22 =	simm.s32 $0x1BFF;
	s21 =	sshll.u32 s5, $0x1;
	s2 =	sadd.s32 s19, s18  }
0x9c: {  	s6 =	simm.s32 $0x0;
	s20 =	sshll.u32 s4, $0x1;
	s4 =	sadd.s32 s21, s2  }
0x9d: {  	[timem:s6], [sflag:s22] =	dma.local [hbm:s4], s20  }
0x9e: {  	_ =	swait.ge [sflag:s22], s20  }
0x9f: {  	s3 =	ssub.s32 $0x0, s20;
	[sflag:s22] =	ssyncset.done $0x0  }
0xa0: {  	[sflag:s22] =	ssyncadd.s32 s3;
	_ =	sdelay $0x1  }
0xa1: {  	s23 =	simm.s32 $0x1B8B  }
0xa2: {  	_ =	swait.ge [sflag:s23], $0x1  }
0xa3: {  	[sflag:s23] =	ssyncset.done $0x0  }
0xa4: {  	s25 =	simm.s32 $0x1B8E;
	s24 =	sld [smem:$0x3FFE];
	[sflag:s23] =	ssyncadd.s32 $0xFFFFFFFF  }
0xa5: {  	s26 =	simm.s32 $execute0_lowered;
	[smem:$0x3FD2] =	sst s25  }
0xa6: {  	s4 =	sshll.u32 s26, $0x1;
	_ =	strace $0x80000046;
	[dreg:$0x1] =	wrdreg $0xFFFFFFFF  }
0xa7: {  	s28 =	simm.s32 $_size_execute0_lowered;
	s2 =	sadd.s32 s2, s4;
	[dreg:$0x0] =	wrdreg $0x0  }
0xa8: {  	s4 =	sshll.u32 s28, $0x1;
	[dreg:$0x2] =	wrdreg s2  }
0xa9: {  	[dreg:$0x3] =	wrdreg s4  }
0xaa: {  	[dreg:$0x4] =	wrdreg $0xC0  }
0xab: {  	_ =	task [dreg:s6], $0x5FFFF  }
0xac: {  	[dreg:$0x1] =	wrdreg $0xFFFFFFFF  }
0xad: {  	[dreg:$0x0] =	wrdreg $0x60  }
0xae: {  	[dreg:$0x2] =	wrdreg s24  }
0xaf: {  	[dreg:$0x3] =	wrdreg $0x8800  }
0xb0: {  	[dreg:$0x4] =	wrdreg $0x9  }
0xb1: {  	_ =	task.clear_ibuf [dreg:s6], $0x5FFFF;
	_ =	strace $0x90000046  }
0xb2: {  	s29 =	simm.s32 $0x9;
	_ =	strace $0x80000048  }
0xb3: {  	_ =	swait.ge [sflag:s29], $0x1  }
0xb4: {  	[sflag:s29] =	ssyncadd.s32 $0xFFFFFFFF  }
0xb5: {  	_ =	strace $0x90000048  }
0xb6: {  	_ =	sfence  }
0xb7: {  	s30 =	sld [smem:$0x0];
	_ =	sdelay $0x2  }
0xb8: {  	s31 =	sshll.u32 s1, $0xD;
	s1 =	sshrl.u32 s1, $0x2  }
0xb9: {  	s3 =	sand.u32 $0x4000, s31;
	s1 =	sadd.s32 s1, s30  }
0xba: {  	s0 =	sor.u32 s3, s0;
	s1 =	sshll.u32 s1, $0x11  }
0xbb: {  	s0 =	sor.u32 s1, s0  }
0xbc: {  	s0 =	sadd.s32 $0x8F2B, s0  }
0xbd: {  	[sflag:s0] =	ssyncadd.remote.s32 $0x1  }
0xbe: {  	_ =	sfence.sel $0xFFFF  }
0xbf: {  	[dreg:$0x0] =	wrdreg $0xFFFFFFFF;
	(pc) =	sbr.abs _section_cstart, $3  }
0xc0: {  	[dreg:$0x1] =	wrdreg $0xFFFFFFFF  }
0xc1: {  	_ =	task.clear_ibuf [dreg:s6], $0x2FFFF;
	_ =	strace $0x9FFFFFFF  }
0xc2: {  	(tm) =	ssettm $0x7FFFFFFF  }
0xc3: {  	_ =	shalt  }
tec
execute0_lowered:
.L_overlay_start_1:
0x0: {  	(tag) =	ssettag $0x1  }
0x1: {  	s1 =	srdreg.scid  }
0x2: {  	s0 =	stileid.u32;
	s5 =	rddreg [dreg:$0x0]  }
0x3: {  	s2 =	rddreg [dreg:$0x1];
	s3 =	simm.s32 $0x0;
	s4 =	smul.u32 $0x4F00, s0  }
0x4: {  	s6 =	sand.u32 $0x1, s1;
	s1 =	rddreg [dreg:$0x2];
	s8 =	smul.u32 $0x2780, s0  }
0x5: {  	s13 =	simm.s32 $0x0;
	[smem:$0x7FF] =	sst s3;
	s7 =	smul.u32 $0x2780, s6  }
0x6: {  	s31 =	sshll.u32 s0, $0x6;
	s29 =	smul.u32 $0x27800, s6;
	s6 =	ssub.s32 $0x2, s6  }
0x7: {  	_ =	strace $0x80000047;
	s10 =	sshrl.u32 s8, $0x3;
	s30 =	sshrl.u32 s6, $0x1  }
0x8: {  	s12 =	sadd.s32 s8, s2;
	s4 =	sadd.s32 s7, s4;
	s7 =	sadd.s32 s8, s29  }
0x9: {  	s10 =	sadd.s32 s10, s5;
	s11 =	ssub.s32 s6, s30;
	s6 =	sor.u32 $0x1C01, s31  }
0xa: {  	s9 =	sshrl.u32 s4, $0x3;
	s4 =	sadd.s32 $0x10400, s5;
	s7 =	sshrl.u32 s7, $0x3  }
0xb: {  	s8 =	smax.u32 s11, $0x1;
	s11 =	simm.s32 $0x1;
	s9 =	sadd.s32 s9, s5  }
0xc: {  	s7 =	sadd.s32 s7, s5;
	s5 =	sadd.s32 $0xB400, s10;
	s10 =	sshrl.u32 s12, $0x3  }
0xd: {  	s12 =	simm.s32 $0x80;
	s7 =	sadd.s32 $0x10600, s7;
	s9 =	sadd.s32 $0x1600, s9  }
.LBB2_1:
0xe: {  	[spmem:s10], [sflag:s6] =	dma.local [hbm:s5], $0x4F0  }
0xf: {  	_ =	swait.ge [sflag:s11], $0x4F0  }
0x10: {  	[sflag:s11] =	ssyncset.done $0x0  }
0x11: {  	[sflag:s11] =	ssyncadd.s32 $0xFFFFFB10  }
0x12: {  	[bflag:$0x0] =	sbarrier.arrive $0xFFFF  }
0x13: {  	[tilespmem:s12], [sflag:$0x1] =	stream.linear.gather [hbm4b:s4+s3], $0x800, $0x38;
	[tilespmem:$0x3000] =	vst v63  }
0x14: {  	_ =	swait.ge [sflag:s11], $0x800  }
0x15: {  	[sflag:s11] =	ssyncset.done $0x0  }
0x16: {  	s14 =	sadd.s32 $0x0, s9;
	[sflag:s11] =	ssyncadd.s32 $0xFFFFF800  }
0x17: {  	[tilespmem:s3], [sflag:$0x1] =	stream.linear.gather [hbm4b:s14+s3], $0x80, $0x38;
	[tilespmem:$0x3000] =	vst v63  }
0x18: {  	_ =	swait.ge [sflag:s11], $0x80  }
0x19: {  	[sflag:s11] =	ssyncset.done $0x0  }
0x1a: {  	[sflag:s11] =	ssyncadd.s32 $0xFFFFFF80  }
0x1b: {  	[spmem:s2] =	stream.indirect.scatter.add.f32 [tilespmem:s12], [sflag:$0x1], $0x10, s3, s12, $0xb8;
	[tilespmem:$0x3000] =	vst v63  }
0x1c: {  	_ =	swait.ge [sflag:s11], $0x800  }
0x1d: {  	s15 =	simm.s32 $0x20;
	s14 =	simm.s32 $0x10;
	[sflag:s11] =	ssyncset.done $0x0  }
.LBB2_2:
0x1e: {  	s16 =	sadd.s32 s14, s9  }
0x1f: {  	[sflag:s11] =	ssyncadd.s32 $0xFFFFF800;
	s14 =	smov.u32 s15;
	s17 =	sadd.s32 $0x10, s15  }
0x20: {  	[tilespmem:s3], [sflag:$0x1] =	stream.linear.gather [hbm4b:s16+s3], $0x80, $0x38;
	[tilespmem:$0x3000] =	vst v63  }
0x21: {  	p0 =	sne.s32 s15, $0x4E0;
	_ =	swait.ge [sflag:s11], $0x80  }
.Ltmp0:
0x22: {  	[sflag:s11] =	ssyncset.done $0x0;
	(pc) =	sbr.rel @p0 .LBB2_2-.Ltmp0, $4  }
0x23: {  	[sflag:s11] =	ssyncadd.s32 $0xFFFFFF80  }
0x24: {  	[spmem:s2] =	stream.indirect.scatter.add.f32 [tilespmem:s12], [sflag:$0x1], $0x10, s3, s12, $0xb8;
	[tilespmem:$0x3000] =	vst v63  }
0x25: {  	_ =	swait.ge [sflag:s11], $0x800  }
0x26: {  	s15 =	smov.u32 s17;
	[sflag:s11] =	ssyncset.done $0x0  }
0x27: {  	s14 =	sadd.s32 s14, s9;
	[sflag:s11] =	ssyncadd.s32 $0xFFFFF800  }
0x28: {  	[tilespmem:s3], [sflag:$0x1] =	stream.linear.gather [hbm4b:s14+s3], $0x80, $0x38;
	[tilespmem:$0x3000] =	vst v63  }
0x29: {  	_ =	swait.ge [sflag:s11], $0x80  }
0x2a: {  	[sflag:s11] =	ssyncset.done $0x0  }
0x2b: {  	[sflag:s11] =	ssyncadd.s32 $0xFFFFFF80  }
0x2c: {  	[spmem:s2] =	stream.indirect.scatter.add.f32 [tilespmem:s12], [sflag:$0x1], $0x10, s3, s12, $0xb8;
	[tilespmem:$0x3000] =	vst v63  }
0x2d: {  	_ =	swait.ge [sflag:s11], $0x800  }
0x2e: {  	s13 =	sadd.s32 $0x1, s13;
	[sflag:s11] =	ssyncset.done $0x0  }
0x2f: {  	p0 =	sne.s32 s13, s8;
	[sflag:s11] =	ssyncadd.s32 $0xFFFFF800  }
.Ltmp1:
0x30: {  	[bflag:$0x0] =	sbarrier.arrive $0xFFFF;
	(pc) =	sbr.rel @p0 .LBB2_1-.Ltmp1, $4  }
0x31: {  	[hbm:s7], [sflag:s6] =	dma.local [spmem:s10], $0x4F0  }
0x32: {  	_ =	swait.ge [sflag:s11], $0x4F0  }
0x33: {  	[sflag:s11] =	ssyncset.done $0x0  }
0x34: {  	[sflag:s11] =	ssyncadd.s32 $0xFFFFFB10  }
0x35: {  	_ =	sfence.sel $0x180000  }
0x36: {  	[bflag:$0x0] =	sbarrier.arrive $0xFFFF  }
0x37: {  	p0 =	sne.s32 s0, $0x0;
	_ =	strace $0x90000047  }
0x38: {  	s0 =	sadd.s32 @!p0 $0x100000, s1;
	[bflag:$0x2] =	sbarrier.arrive $0xFFFF  }
0x39: {  	[sflag:s0] =	ssyncadd.tile.s32 @!p0 $0x1;
	_ =	shalt  }
.Lfunc_end2:
_tile_overlayer_lowered:
.L_overlay_start_2:
0x3a: {  	(tag) =	ssettag $0x2  }
0x3b: {  	s0 =	rddreg [dreg:$0x0];
	s2 =	stileid.u32  }
0x3c: {  	s1 =	rddreg [dreg:$0x1];
	p0 =	sne.s32 s2, $0x0  }
0x3d: {  	s3 =	rddreg [dreg:$0x2];
	[bflag:$0x3] =	sbarrier.arrive $0xFFFF;
	s2 =	simm.s32 @!p0 $0x1C01  }
0x3e: {  	[timem:s3], [sflag:s2] =	dma.local @!p0 [hbm:s0], s1  }
0x3f: {  	s0 =	simm.s32 @!p0 $0x1  }
0x40: {  	_ =	swait.ge @!p0 [sflag:s0], s1  }
0x41: {  	s1 =	ssub.s32 @!p0 $0x0, s1;
	[sflag:s0] =	ssyncset.done @!p0 $0x0  }
0x42: {  	[sflag:s0] =	ssyncadd.s32 @!p0 s1  }
0x43: {  	[bflag:$0x3] =	sbarrier.arrive $0xFFFF  }
0x44: {  	_ =	shalt  }

</sc_bundles>
